<compile_context>
chip_gen: v7x
topology: tpu7x:2x2x1
jax: 0.10.2.dev20260603
libtpu: 0.0.44.dev20260713+nightly
codegen_flags: <defaults>
</compile_context>

<pallas_src>
import functools

import jax
import jax.numpy as jnp
import numpy as np
from jax import lax
from jax.experimental import pallas as pl
from jax.experimental.pallas import tpu as pltpu
from jax.experimental.pallas import tpu_sc as plsc

_B = 2
_Z = 3
_G = 33
_F = 3
_R = (_G - 1) * _F + 1
_M = _R * _R
_N = 4096
_LANES = 16
_NC = 2
_NS = 16
_NW = _NC * _NS
_MPAD = 9472
_PADVAL = 1e8

_QV = 2
_PU = 4

_NSC = 512
_NTC = _N - _NSC
_QPW = _NSC // _NS
_NB = 512
_MB = 256


def _interp_matrix() -> np.ndarray:
    w = np.zeros((_G, _R), dtype=np.float32)
    for p in range(_R):
        j = p // _F
        k = np.float32(p % _F) / np.float32(_F)
        jn = min(j + 1, _G - 1)
        w[j, p] += np.float32(1.0) - k
        w[jn, p] += k
    return w


def _refine_body(wt_ref, w_ref, m_ref, o_ref):
    m = m_ref[0]
    t = lax.dot_general(
        wt_ref[...], m, (((1,), (0,)), ((), ())),
        precision=lax.Precision.HIGHEST,
        preferred_element_type=jnp.float32)
    o_ref[0] = lax.dot_general(
        t, w_ref[...], (((1,), (0,)), ((), ())),
        precision=lax.Precision.HIGHEST,
        preferred_element_type=jnp.float32)


def _refine(network_mesh):
    mesh6 = network_mesh.reshape(_B * _Z, _G, _G)
    w = jnp.asarray(_interp_matrix())
    wt = w.T
    return pl.pallas_call(
        _refine_body,
        grid=(_B * _Z,),
        in_specs=[
            pl.BlockSpec((_R, _G), lambda i: (0, 0)),
            pl.BlockSpec((_G, _R), lambda i: (0, 0)),
            pl.BlockSpec((1, _G, _G), lambda i: (i, 0, 0)),
        ],
        out_specs=pl.BlockSpec((1, _R, _R), lambda i: (i, 0, 0)),
        out_shape=jax.ShapeDtypeStruct((_B * _Z, _R, _R), jnp.float32),
    )(wt, w, mesh6)


def _round_bf16(v):
    u = plsc.bitcast(v, jnp.uint32)
    lsb = jnp.bitwise_and(jnp.right_shift(u, jnp.uint32(16)), jnp.uint32(1))
    r = jnp.bitwise_and(u + jnp.uint32(0x7FFF) + lsb, jnp.uint32(0xFFFF0000))
    return plsc.bitcast(r, jnp.float32)


def _chamfer_body(meshf_hbm, pc_hbm, out_hbm,
                  mx_v, my_v, mz_v, aa_v, px_v, py_v, pz_v, sum_v):
    c = lax.axis_index("c")
    s = lax.axis_index("s")
    b = c
    w = s * _NC + c
    qoff = _NTC + s * _QPW

    pltpu.sync_copy(meshf_hbm.at[pl.ds((b * _Z + 0) * _MPAD, _MPAD)], mx_v)
    pltpu.sync_copy(meshf_hbm.at[pl.ds((b * _Z + 1) * _MPAD, _MPAD)], my_v)
    pltpu.sync_copy(meshf_hbm.at[pl.ds((b * _Z + 2) * _MPAD, _MPAD)], mz_v)
    pltpu.sync_copy(pc_hbm.at[pl.ds((b * _Z + 0) * _N + qoff, _QPW)], px_v)
    pltpu.sync_copy(pc_hbm.at[pl.ds((b * _Z + 1) * _N + qoff, _QPW)], py_v)
    pltpu.sync_copy(pc_hbm.at[pl.ds((b * _Z + 2) * _N + qoff, _QPW)], pz_v)

    def prep(vi, _):
        sl = pl.ds(vi * _LANES, _LANES)
        a = mx_v[sl]
        b2 = my_v[sl]
        cz = mz_v[sl]
        aa_v[sl] = a * a + b2 * b2 + cz * cz
        mx_v[sl] = _round_bf16(a)
        my_v[sl] = _round_bf16(b2)
        mz_v[sl] = _round_bf16(cz)
        return 0
    lax.fori_loop(0, _MPAD // _LANES, prep, 0, unroll=1)

    total = jnp.zeros((_LANES,), jnp.float32)
    n_groups = _QPW // (_QV * _LANES)
    for g in range(n_groups):
        qxr = [px_v[pl.ds((g * _QV + i) * _LANES, _LANES)] for i in range(_QV)]
        qyr = [py_v[pl.ds((g * _QV + i) * _LANES, _LANES)] for i in range(_QV)]
        qzr = [pz_v[pl.ds((g * _QV + i) * _LANES, _LANES)] for i in range(_QV)]
        bb = [qxr[i] * qxr[i] + qyr[i] * qyr[i] + qzr[i] * qzr[i]
              for i in range(_QV)]
        qx = [_round_bf16(qxr[i]) for i in range(_QV)]
        qy = [_round_bf16(qyr[i]) for i in range(_QV)]
        qz = [_round_bf16(qzr[i]) for i in range(_QV)]

        def mbody(mi, accs, qx=qx, qy=qy, qz=qz, bb=bb):
            accs = list(accs)
            base = jnp.full((_LANES,), mi * _PU, jnp.int32)
            for u in range(_PU):
                idx = base + u
                mxs = plsc.load_gather(mx_v, [idx])
                mys = plsc.load_gather(my_v, [idx])
                mzs = plsc.load_gather(mz_v, [idx])
                aas = plsc.load_gather(aa_v, [idx])
                for i in range(_QV):
                    t = qx[i] * mxs
                    t = t + qy[i] * mys
                    t = t + qz[i] * mzs
                    s = aas + bb[i]
                    d = s - (t + t)
                    accs[i] = jnp.minimum(accs[i], d)
            return tuple(accs)

        init = tuple(jnp.full((_LANES,), jnp.inf, jnp.float32)
                     for _ in range(_QV))
        accs = lax.fori_loop(0, _MPAD // _PU, mbody, init, unroll=1)
        for i in range(_QV):
            total = total + accs[i]

    sum_v[...] = total
    pltpu.sync_copy(sum_v, out_hbm.at[pl.ds(w * _LANES, _LANES)])


def _chamfer_partials(meshf, pc):
    mesh_sc = plsc.VectorSubcoreMesh(core_axis_name="c", subcore_axis_name="s")
    kern = functools.partial(
        pl.kernel,
        mesh=mesh_sc,
        compiler_params=pltpu.CompilerParams(needs_layout_passes=False),
        out_type=jax.ShapeDtypeStruct((_NW * _LANES,), jnp.float32),
        scratch_types=[
            pltpu.VMEM((_MPAD,), jnp.float32),
            pltpu.VMEM((_MPAD,), jnp.float32),
            pltpu.VMEM((_MPAD,), jnp.float32),
            pltpu.VMEM((_MPAD,), jnp.float32),
            pltpu.VMEM((_QPW,), jnp.float32),
            pltpu.VMEM((_QPW,), jnp.float32),
            pltpu.VMEM((_QPW,), jnp.float32),
            pltpu.VMEM((_LANES,), jnp.float32),
        ],
    )(_chamfer_body)
    return kern(meshf, pc)


def _tc_body(meshf_ref, meshbf_ref, pcs_ref, pcf_ref, o_ref, aa_s):
    nt = pl.program_id(1)

    @pl.when(nt == 0)
    def _():
        m = meshf_ref[0]
        aa_s[...] = jnp.sum(m * m, axis=0, keepdims=True)

    pcs = pcs_ref[0]
    runmin = jnp.full((_NB, _MB), jnp.inf, jnp.float32)
    for mt in range(_MPAD // _MB):
        sl = pl.ds(mt * _MB, _MB)
        msub = meshbf_ref[0, :, sl]
        t2 = lax.dot_general(pcs, msub, (((1,), (0,)), ((), ())),
                             preferred_element_type=jnp.float32)
        runmin = jnp.minimum(runmin, t2 + aa_s[0:1, sl])
    red = jnp.min(runmin, axis=1)
    pcf = pcf_ref[0]
    bb = jnp.sum(pcf * pcf, axis=0)
    o_ref[0, 0] = red + bb


def _tc_chamfer(meshf, mesh_bf, pcs_bf, pc_tc):
    return pl.pallas_call(
        _tc_body,
        grid=(_B, _NTC // _NB),
        in_specs=[
            pl.BlockSpec((1, _Z, _MPAD), lambda b, n: (b, 0, 0)),
            pl.BlockSpec((1, _Z, _MPAD), lambda b, n: (b, 0, 0)),
            pl.BlockSpec((1, _NB, _Z), lambda b, n: (b, n, 0)),
            pl.BlockSpec((1, _Z, _NB), lambda b, n: (b, 0, n)),
        ],
        out_specs=pl.BlockSpec(
            (1, 1, _NB), lambda b, n: (b * (_NTC // _NB) + n, 0, 0)),
        out_shape=jax.ShapeDtypeStruct((_B * (_NTC // _NB), 1, _NB),
                                       jnp.float32),
        scratch_shapes=[pltpu.VMEM((1, _MPAD), jnp.float32)],
    )(meshf, mesh_bf, pcs_bf, pc_tc)


def kernel(network_mesh, pc):
    refined = _refine(network_mesh)
    meshf = refined.reshape(_B, _Z, _M)
    meshf = jnp.pad(meshf, ((0, 0), (0, 0), (0, _MPAD - _M)),
                    constant_values=_PADVAL)
    mesh_bf = meshf.astype(jnp.bfloat16)
    pc_tc = pc[:, :, :_NTC]
    pcs_bf = jnp.transpose(-2.0 * pc_tc, (0, 2, 1)).astype(jnp.bfloat16)
    dist_tc = _tc_chamfer(meshf, mesh_bf, pcs_bf, pc_tc)
    total = jnp.sum(dist_tc)
    if _NSC:
        total = total + jnp.sum(
            _chamfer_partials(meshf.reshape(-1), pc.reshape(-1)))
    return total / jnp.float32(_B * _N)

# --- scband reference (transcript-rebuilt; emitter-appended) ---
"""Pipeline reference for scband-mesh-loss2-d-15857019256897 (READ-ONLY COPY).

The authoritative reference and input builder live on the scoring server;
editing this copy changes nothing except your own understanding.
"""

import jax, jax.numpy as jnp
import numpy as np


def _interp_last(a, factor):
    # Linear interpolation along last axis, matching the loop-based refine_mesh:
    # output length (L-1)*factor + 1; position p = j*factor + k maps to
    # ((factor-k)/factor)*a[..., j] + (k/factor)*a[..., j+1], with last element = a[..., -1].
    L = a.shape[-1]
    newL = (L - 1) * factor + 1
    p = jnp.arange(newL)
    j = p // factor
    k = (p % factor).astype(a.dtype)
    jn = jnp.minimum(j + 1, L - 1)
    left = jnp.take(a, j, axis=-1)
    right = jnp.take(a, jn, axis=-1)
    w = k / float(factor)
    return (1.0 - w) * left + w * right


def refine_mesh(mesh, factor):
    # mesh: [B, z, x, y]. Original code first interpolates rows (along y) at rows i*factor,
    # then interpolates every column (along x) between those rows -> separable bilinear,
    # align-corners style.
    out = _interp_last(mesh, factor)          # interp along y
    out = jnp.swapaxes(out, -1, -2)           # [B, z, new_y, x]
    out = _interp_last(out, factor)           # interp along x
    return jnp.swapaxes(out, -1, -2)          # [B, z, new_x, new_y]


def _chamfer(a, b):
    # a: [B, M, D], b: [B, N, D]; squared-distance chamfer (standard ChamferDistance op)
    aa = jnp.sum(a * a, axis=-1)
    bb = jnp.sum(b * b, axis=-1)
    d = aa[:, :, None] + bb[:, None, :] - 2.0 * jnp.einsum('bmd,bnd->bmn', a, b)
    dist1 = jnp.min(d, axis=2)
    idx1 = jnp.argmin(d, axis=2)
    dist2 = jnp.min(d, axis=1)
    idx2 = jnp.argmin(d, axis=1)
    return dist1, dist2, idx1, idx2


def setup_inputs(seed: int = 0) -> dict:
    key = jax.random.key(seed)
    k1, k2 = jax.random.split(key)
    network_mesh = jax.random.normal(k1, (2, 3, 33, 33), dtype=jnp.float32)
    pc = jax.random.normal(k2, (2, 3, 4096), dtype=jnp.float32)
    return {"network_mesh": network_mesh, "pc": pc}


def reference(network_mesh, pc):
    mesh = refine_mesh(network_mesh, 3)
    B, z = mesh.shape[0], mesh.shape[1]
    mesh = mesh.reshape(B, z, -1)
    mesh = jnp.transpose(mesh, (0, 2, 1))      # [B, M, z]
    pcp = jnp.transpose(pc, (0, 2, 1))          # [B, N, z]
    dist1, dist2, idx1, idx2 = _chamfer(mesh, pcp)
    return jnp.mean(dist2)

if __name__ == "__main__":
    import jax
    _d = setup_inputs()
    print(jax.jit(kernel)(*tuple(_d.values())))

</pallas_src>

<mosaic_0001>
#map = affine_map<(d0, d1) -> (0)>
module attributes {stable_mosaic.version = 14 : i64} {
  func.func @_chamfer_body(%arg0: i32, %arg1: i32, %arg2: memref<56832xf32, #tpu.memory_space<hbm>>, %arg3: memref<24576xf32, #tpu.memory_space<hbm>>, %arg4: memref<512xf32, #tpu.memory_space<hbm>>, %arg5: memref<9472xf32, #tpu.memory_space<vmem>>, %arg6: memref<9472xf32, #tpu.memory_space<vmem>>, %arg7: memref<9472xf32, #tpu.memory_space<vmem>>, %arg8: memref<9472xf32, #tpu.memory_space<vmem>>, %arg9: memref<32xf32, #tpu.memory_space<vmem>>, %arg10: memref<32xf32, #tpu.memory_space<vmem>>, %arg11: memref<32xf32, #tpu.memory_space<vmem>>, %arg12: memref<16xf32, #tpu.memory_space<vmem>>) attributes {dimension_semantics = [#tpu.dimension_semantics<core_parallel>, #tpu.dimension_semantics<subcore_parallel>], iteration_bounds = array<i64: 2, 16>, scalar_prefetch = 0 : i64, scratch_operands = 8 : i64, tpu.core_type = #tpu.core_type<sc_vector_subcore>, window_params = [{transform_indices = #map}, {transform_indices = #map}, {transform_indices = #map}]} {
    %mul3A = arith.constant 2 : i32
    %mul3A_0 = arith.muli %arg1, %mul3A : i32
    %add3A = arith.addi %mul3A_0, %arg0 : i32
    %mul3A_1 = arith.constant 32 : i32
    %mul3A_2 = arith.muli %arg1, %mul3A_1 : i32
    %add3A_3 = arith.constant 3584 : i32
    %add3A_4 = arith.addi %add3A_3, %mul3A_2 : i32
    %mul3A_5 = arith.constant 3 : i32
    %mul3A_6 = arith.muli %arg0, %mul3A_5 : i32
    %add3A_7 = arith.constant 0 : i32
    %add3A_8 = arith.addi %mul3A_6, %add3A_7 : i32
    %mul3A_9 = arith.constant 9472 : i32
    %mul3A_10 = arith.muli %add3A_8, %mul3A_9 : i32
    "tpu.region"() ({
      %run_scoped3A = tpu.sem_alloc : memref<!tpu.dma_semaphore, #tpu.memory_space<semaphore_mem>>
      %dma_start3A = tpu.memref_slice %arg2[%mul3A_10] : memref<56832xf32, #tpu.memory_space<hbm>> -> memref<9472xf32, #tpu.memory_space<hbm>>
      %dma_start3A_174 = tpu.memref_slice %arg2[%mul3A_10] : memref<56832xf32, #tpu.memory_space<hbm>> -> memref<9472xf32, #tpu.memory_space<hbm>>
      tpu.enqueue_dma source(%dma_start3A_174 : memref<9472xf32, #tpu.memory_space<hbm>>) target(%arg5 : memref<9472xf32, #tpu.memory_space<vmem>>) target_semaphore(%run_scoped3A : memref<!tpu.dma_semaphore, #tpu.memory_space<semaphore_mem>>)
      %dma_wait3A = tpu.memref_slice %arg2[%mul3A_10] : memref<56832xf32, #tpu.memory_space<hbm>> -> memref<9472xf32, #tpu.memory_space<hbm>>
      %dma_wait3A_175 = tpu.memref_slice %arg2[%mul3A_10] : memref<56832xf32, #tpu.memory_space<hbm>> -> memref<9472xf32, #tpu.memory_space<hbm>>
      tpu.wait_dma2 semaphore(%run_scoped3A : memref<!tpu.dma_semaphore, #tpu.memory_space<semaphore_mem>>) src(%dma_wait3A_175 : memref<9472xf32, #tpu.memory_space<hbm>>) dst(%arg5 : memref<9472xf32, #tpu.memory_space<vmem>>)
      tpu.yield
    }) : () -> ()
    %mul3A_11 = arith.constant 3 : i32
    %mul3A_12 = arith.muli %arg0, %mul3A_11 : i32
    %add3A_13 = arith.constant 1 : i32
    %add3A_14 = arith.addi %mul3A_12, %add3A_13 : i32
    %mul3A_15 = arith.constant 9472 : i32
    %mul3A_16 = arith.muli %add3A_14, %mul3A_15 : i32
    "tpu.region"() ({
      %run_scoped3A = tpu.sem_alloc : memref<!tpu.dma_semaphore, #tpu.memory_space<semaphore_mem>>
      %dma_start3A = tpu.memref_slice %arg2[%mul3A_16] : memref<56832xf32, #tpu.memory_space<hbm>> -> memref<9472xf32, #tpu.memory_space<hbm>>
      %dma_start3A_174 = tpu.memref_slice %arg2[%mul3A_16] : memref<56832xf32, #tpu.memory_space<hbm>> -> memref<9472xf32, #tpu.memory_space<hbm>>
      tpu.enqueue_dma source(%dma_start3A_174 : memref<9472xf32, #tpu.memory_space<hbm>>) target(%arg6 : memref<9472xf32, #tpu.memory_space<vmem>>) target_semaphore(%run_scoped3A : memref<!tpu.dma_semaphore, #tpu.memory_space<semaphore_mem>>)
      %dma_wait3A = tpu.memref_slice %arg2[%mul3A_16] : memref<56832xf32, #tpu.memory_space<hbm>> -> memref<9472xf32, #tpu.memory_space<hbm>>
      %dma_wait3A_175 = tpu.memref_slice %arg2[%mul3A_16] : memref<56832xf32, #tpu.memory_space<hbm>> -> memref<9472xf32, #tpu.memory_space<hbm>>
      tpu.wait_dma2 semaphore(%run_scoped3A : memref<!tpu.dma_semaphore, #tpu.memory_space<semaphore_mem>>) src(%dma_wait3A_175 : memref<9472xf32, #tpu.memory_space<hbm>>) dst(%arg6 : memref<9472xf32, #tpu.memory_space<vmem>>)
      tpu.yield
    }) : () -> ()
    %mul3A_17 = arith.constant 3 : i32
    %mul3A_18 = arith.muli %arg0, %mul3A_17 : i32
    %add3A_19 = arith.constant 2 : i32
    %add3A_20 = arith.addi %mul3A_18, %add3A_19 : i32
    %mul3A_21 = arith.constant 9472 : i32
    %mul3A_22 = arith.muli %add3A_20, %mul3A_21 : i32
    "tpu.region"() ({
      %run_scoped3A = tpu.sem_alloc : memref<!tpu.dma_semaphore, #tpu.memory_space<semaphore_mem>>
      %dma_start3A = tpu.memref_slice %arg2[%mul3A_22] : memref<56832xf32, #tpu.memory_space<hbm>> -> memref<9472xf32, #tpu.memory_space<hbm>>
      %dma_start3A_174 = tpu.memref_slice %arg2[%mul3A_22] : memref<56832xf32, #tpu.memory_space<hbm>> -> memref<9472xf32, #tpu.memory_space<hbm>>
      tpu.enqueue_dma source(%dma_start3A_174 : memref<9472xf32, #tpu.memory_space<hbm>>) target(%arg7 : memref<9472xf32, #tpu.memory_space<vmem>>) target_semaphore(%run_scoped3A : memref<!tpu.dma_semaphore, #tpu.memory_space<semaphore_mem>>)
      %dma_wait3A = tpu.memref_slice %arg2[%mul3A_22] : memref<56832xf32, #tpu.memory_space<hbm>> -> memref<9472xf32, #tpu.memory_space<hbm>>
      %dma_wait3A_175 = tpu.memref_slice %arg2[%mul3A_22] : memref<56832xf32, #tpu.memory_space<hbm>> -> memref<9472xf32, #tpu.memory_space<hbm>>
      tpu.wait_dma2 semaphore(%run_scoped3A : memref<!tpu.dma_semaphore, #tpu.memory_space<semaphore_mem>>) src(%dma_wait3A_175 : memref<9472xf32, #tpu.memory_space<hbm>>) dst(%arg7 : memref<9472xf32, #tpu.memory_space<vmem>>)
      tpu.yield
    }) : () -> ()
    %mul3A_23 = arith.constant 3 : i32
    %mul3A_24 = arith.muli %arg0, %mul3A_23 : i32
    %add3A_25 = arith.constant 0 : i32
    %add3A_26 = arith.addi %mul3A_24, %add3A_25 : i32
    %mul3A_27 = arith.constant 4096 : i32
    %mul3A_28 = arith.muli %add3A_26, %mul3A_27 : i32
    %add3A_29 = arith.addi %mul3A_28, %add3A_4 : i32
    "tpu.region"() ({
      %run_scoped3A = tpu.sem_alloc : memref<!tpu.dma_semaphore, #tpu.memory_space<semaphore_mem>>
      %dma_start3A = tpu.memref_slice %arg3[%add3A_29] : memref<24576xf32, #tpu.memory_space<hbm>> -> memref<32xf32, #tpu.memory_space<hbm>>
      %dma_start3A_174 = tpu.memref_slice %arg3[%add3A_29] : memref<24576xf32, #tpu.memory_space<hbm>> -> memref<32xf32, #tpu.memory_space<hbm>>
      tpu.enqueue_dma source(%dma_start3A_174 : memref<32xf32, #tpu.memory_space<hbm>>) target(%arg9 : memref<32xf32, #tpu.memory_space<vmem>>) target_semaphore(%run_scoped3A : memref<!tpu.dma_semaphore, #tpu.memory_space<semaphore_mem>>)
      %dma_wait3A = tpu.memref_slice %arg3[%add3A_29] : memref<24576xf32, #tpu.memory_space<hbm>> -> memref<32xf32, #tpu.memory_space<hbm>>
      %dma_wait3A_175 = tpu.memref_slice %arg3[%add3A_29] : memref<24576xf32, #tpu.memory_space<hbm>> -> memref<32xf32, #tpu.memory_space<hbm>>
      tpu.wait_dma2 semaphore(%run_scoped3A : memref<!tpu.dma_semaphore, #tpu.memory_space<semaphore_mem>>) src(%dma_wait3A_175 : memref<32xf32, #tpu.memory_space<hbm>>) dst(%arg9 : memref<32xf32, #tpu.memory_space<vmem>>)
      tpu.yield
    }) : () -> ()
    %mul3A_30 = arith.constant 3 : i32
    %mul3A_31 = arith.muli %arg0, %mul3A_30 : i32
    %add3A_32 = arith.constant 1 : i32
    %add3A_33 = arith.addi %mul3A_31, %add3A_32 : i32
    %mul3A_34 = arith.constant 4096 : i32
    %mul3A_35 = arith.muli %add3A_33, %mul3A_34 : i32
    %add3A_36 = arith.addi %mul3A_35, %add3A_4 : i32
    "tpu.region"() ({
      %run_scoped3A = tpu.sem_alloc : memref<!tpu.dma_semaphore, #tpu.memory_space<semaphore_mem>>
      %dma_start3A = tpu.memref_slice %arg3[%add3A_36] : memref<24576xf32, #tpu.memory_space<hbm>> -> memref<32xf32, #tpu.memory_space<hbm>>
      %dma_start3A_174 = tpu.memref_slice %arg3[%add3A_36] : memref<24576xf32, #tpu.memory_space<hbm>> -> memref<32xf32, #tpu.memory_space<hbm>>
      tpu.enqueue_dma source(%dma_start3A_174 : memref<32xf32, #tpu.memory_space<hbm>>) target(%arg10 : memref<32xf32, #tpu.memory_space<vmem>>) target_semaphore(%run_scoped3A : memref<!tpu.dma_semaphore, #tpu.memory_space<semaphore_mem>>)
      %dma_wait3A = tpu.memref_slice %arg3[%add3A_36] : memref<24576xf32, #tpu.memory_space<hbm>> -> memref<32xf32, #tpu.memory_space<hbm>>
      %dma_wait3A_175 = tpu.memref_slice %arg3[%add3A_36] : memref<24576xf32, #tpu.memory_space<hbm>> -> memref<32xf32, #tpu.memory_space<hbm>>
      tpu.wait_dma2 semaphore(%run_scoped3A : memref<!tpu.dma_semaphore, #tpu.memory_space<semaphore_mem>>) src(%dma_wait3A_175 : memref<32xf32, #tpu.memory_space<hbm>>) dst(%arg10 : memref<32xf32, #tpu.memory_space<vmem>>)
      tpu.yield
    }) : () -> ()
    %mul3A_37 = arith.constant 3 : i32
    %mul3A_38 = arith.muli %arg0, %mul3A_37 : i32
    %add3A_39 = arith.constant 2 : i32
    %add3A_40 = arith.addi %mul3A_38, %add3A_39 : i32
    %mul3A_41 = arith.constant 4096 : i32
    %mul3A_42 = arith.muli %add3A_40, %mul3A_41 : i32
    %add3A_43 = arith.addi %mul3A_42, %add3A_4 : i32
    "tpu.region"() ({
      %run_scoped3A = tpu.sem_alloc : memref<!tpu.dma_semaphore, #tpu.memory_space<semaphore_mem>>
      %dma_start3A = tpu.memref_slice %arg3[%add3A_43] : memref<24576xf32, #tpu.memory_space<hbm>> -> memref<32xf32, #tpu.memory_space<hbm>>
      %dma_start3A_174 = tpu.memref_slice %arg3[%add3A_43] : memref<24576xf32, #tpu.memory_space<hbm>> -> memref<32xf32, #tpu.memory_space<hbm>>
      tpu.enqueue_dma source(%dma_start3A_174 : memref<32xf32, #tpu.memory_space<hbm>>) target(%arg11 : memref<32xf32, #tpu.memory_space<vmem>>) target_semaphore(%run_scoped3A : memref<!tpu.dma_semaphore, #tpu.memory_space<semaphore_mem>>)
      %dma_wait3A = tpu.memref_slice %arg3[%add3A_43] : memref<24576xf32, #tpu.memory_space<hbm>> -> memref<32xf32, #tpu.memory_space<hbm>>
      %dma_wait3A_175 = tpu.memref_slice %arg3[%add3A_43] : memref<24576xf32, #tpu.memory_space<hbm>> -> memref<32xf32, #tpu.memory_space<hbm>>
      tpu.wait_dma2 semaphore(%run_scoped3A : memref<!tpu.dma_semaphore, #tpu.memory_space<semaphore_mem>>) src(%dma_wait3A_175 : memref<32xf32, #tpu.memory_space<hbm>>) dst(%arg11 : memref<32xf32, #tpu.memory_space<vmem>>)
      tpu.yield
    }) : () -> ()
    %scan3A = arith.constant 0 : i32
    %scan3A_44 = arith.constant 0 : i32
    %scan3A_45 = arith.constant 592 : i32
    %scan3A_46 = arith.addi %scan3A_44, %scan3A_45 : i32
    %scan3A_47 = arith.constant 1 : i32
    %scan3A_48 = scf.for %scan3A_174 = %scan3A_44 to %scan3A_46 step %scan3A_47 iter_args(%scan3A_175 = %scan3A) -> (i32)  : i32 {
      %mul3A_176 = arith.constant 16 : i32
      %mul3A_177 = arith.muli %scan3A_174, %mul3A_176 : i32
      %get3A_178 = arith.index_cast %mul3A_177 : i32 to index
      %get3A_179 = tpu.vector_load %arg5[%get3A_178] {strides = array<i32>} : memref<9472xf32, #tpu.memory_space<vmem>>, vector<16xf32>,
      %get3A_180 = arith.index_cast %mul3A_177 : i32 to index
      %get3A_181 = tpu.vector_load %arg6[%get3A_180] {strides = array<i32>} : memref<9472xf32, #tpu.memory_space<vmem>>, vector<16xf32>,
      %get3A_182 = arith.index_cast %mul3A_177 : i32 to index
      %get3A_183 = tpu.vector_load %arg7[%get3A_182] {strides = array<i32>} : memref<9472xf32, #tpu.memory_space<vmem>>, vector<16xf32>,
      %mul3A_184 = arith.mulf %get3A_179, %get3A_179 : vector<16xf32>
      %mul3A_185 = arith.mulf %get3A_181, %get3A_181 : vector<16xf32>
      %add3A_186 = arith.addf %mul3A_184, %mul3A_185 : vector<16xf32>
      %mul3A_187 = arith.mulf %get3A_183, %get3A_183 : vector<16xf32>
      %add3A_188 = arith.addf %add3A_186, %mul3A_187 : vector<16xf32>
      %swap3A_189 = arith.index_cast %mul3A_177 : i32 to index
      %swap3A_190 = tpu.vector_load %arg8[%swap3A_189] {strides = array<i32>} : memref<9472xf32, #tpu.memory_space<vmem>>, vector<16xf32>,
      tpu.vector_store %arg8[%swap3A_189], %add3A_188 {strides = array<i32>} : memref<9472xf32, #tpu.memory_space<vmem>>, vector<16xf32>,
      %bitcast3A_191 = vector.bitcast %get3A_179 : vector<16xf32> to vector<16xi32>
      %shift_right_logical3A_192 = arith.constant 16 : i32
      %shift_right_logical3A_193 = vector.broadcast %shift_right_logical3A_192 : i32 to vector<16xi32>
      %shift_right_logical3A_194 = arith.shrui %bitcast3A_191, %shift_right_logical3A_193 : vector<16xi32>
      %and3A_195 = arith.constant 1 : i32
      %and3A_196 = vector.broadcast %and3A_195 : i32 to vector<16xi32>
      %and3A_197 = arith.andi %shift_right_logical3A_194, %and3A_196 : vector<16xi32>
      %add3A_198 = arith.constant 32767 : i32
      %add3A_199 = vector.broadcast %add3A_198 : i32 to vector<16xi32>
      %add3A_200 = arith.addi %bitcast3A_191, %add3A_199 : vector<16xi32>
      %add3A_201 = arith.addi %add3A_200, %and3A_197 : vector<16xi32>
      %and3A_202 = arith.constant -65536 : i32
      %and3A_203 = vector.broadcast %and3A_202 : i32 to vector<16xi32>
      %and3A_204 = arith.andi %add3A_201, %and3A_203 : vector<16xi32>
      %bitcast3A_205 = vector.bitcast %and3A_204 : vector<16xi32> to vector<16xf32>
      %swap3A_206 = arith.index_cast %mul3A_177 : i32 to index
      %swap3A_207 = tpu.vector_load %arg5[%swap3A_206] {strides = array<i32>} : memref<9472xf32, #tpu.memory_space<vmem>>, vector<16xf32>,
      tpu.vector_store %arg5[%swap3A_206], %bitcast3A_205 {strides = array<i32>} : memref<9472xf32, #tpu.memory_space<vmem>>, vector<16xf32>,
      %bitcast3A_208 = vector.bitcast %get3A_181 : vector<16xf32> to vector<16xi32>
      %shift_right_logical3A_209 = arith.constant 16 : i32
      %shift_right_logical3A_210 = vector.broadcast %shift_right_logical3A_209 : i32 to vector<16xi32>
      %shift_right_logical3A_211 = arith.shrui %bitcast3A_208, %shift_right_logical3A_210 : vector<16xi32>
      %and3A_212 = arith.constant 1 : i32
      %and3A_213 = vector.broadcast %and3A_212 : i32 to vector<16xi32>
      %and3A_214 = arith.andi %shift_right_logical3A_211, %and3A_213 : vector<16xi32>
      %add3A_215 = arith.constant 32767 : i32
      %add3A_216 = vector.broadcast %add3A_215 : i32 to vector<16xi32>
      %add3A_217 = arith.addi %bitcast3A_208, %add3A_216 : vector<16xi32>
      %add3A_218 = arith.addi %add3A_217, %and3A_214 : vector<16xi32>
      %and3A_219 = arith.constant -65536 : i32
      %and3A_220 = vector.broadcast %and3A_219 : i32 to vector<16xi32>
      %and3A_221 = arith.andi %add3A_218, %and3A_220 : vector<16xi32>
      %bitcast3A_222 = vector.bitcast %and3A_221 : vector<16xi32> to vector<16xf32>
      %swap3A_223 = arith.index_cast %mul3A_177 : i32 to index
      %swap3A_224 = tpu.vector_load %arg6[%swap3A_223] {strides = array<i32>} : memref<9472xf32, #tpu.memory_space<vmem>>, vector<16xf32>,
      tpu.vector_store %arg6[%swap3A_223], %bitcast3A_222 {strides = array<i32>} : memref<9472xf32, #tpu.memory_space<vmem>>, vector<16xf32>,
      %bitcast3A_225 = vector.bitcast %get3A_183 : vector<16xf32> to vector<16xi32>
      %shift_right_logical3A_226 = arith.constant 16 : i32
      %shift_right_logical3A_227 = vector.broadcast %shift_right_logical3A_226 : i32 to vector<16xi32>
      %shift_right_logical3A_228 = arith.shrui %bitcast3A_225, %shift_right_logical3A_227 : vector<16xi32>
      %and3A_229 = arith.constant 1 : i32
      %and3A_230 = vector.broadcast %and3A_229 : i32 to vector<16xi32>
      %and3A_231 = arith.andi %shift_right_logical3A_228, %and3A_230 : vector<16xi32>
      %add3A_232 = arith.constant 32767 : i32
      %add3A_233 = vector.broadcast %add3A_232 : i32 to vector<16xi32>
      %add3A_234 = arith.addi %bitcast3A_225, %add3A_233 : vector<16xi32>
      %add3A_235 = arith.addi %add3A_234, %and3A_231 : vector<16xi32>
      %and3A_236 = arith.constant -65536 : i32
      %and3A_237 = vector.broadcast %and3A_236 : i32 to vector<16xi32>
      %and3A_238 = arith.andi %add3A_235, %and3A_237 : vector<16xi32>
      %bitcast3A_239 = vector.bitcast %and3A_238 : vector<16xi32> to vector<16xf32>
      %swap3A_240 = arith.index_cast %mul3A_177 : i32 to index
      %swap3A_241 = tpu.vector_load %arg7[%swap3A_240] {strides = array<i32>} : memref<9472xf32, #tpu.memory_space<vmem>>, vector<16xf32>,
      tpu.vector_store %arg7[%swap3A_240], %bitcast3A_239 {strides = array<i32>} : memref<9472xf32, #tpu.memory_space<vmem>>, vector<16xf32>,
      %scan3A_242 = arith.constant 0 : i32
      scf.yield %scan3A_242 : i32
    }
    %scan3A_49 = arith.constant 592 : i32
    %broadcast_in_dim3A = arith.constant 0.000000e+00 : f32
    %broadcast_in_dim3A_50 = vector.broadcast %broadcast_in_dim3A : f32 to vector<16xf32>
    %get3A = arith.constant 0 : index
    %get3A_51 = tpu.vector_load %arg9[%get3A] {strides = array<i32>} : memref<32xf32, #tpu.memory_space<vmem>>, vector<16xf32>,
    %get3A_52 = arith.constant 16 : index
    %get3A_53 = tpu.vector_load %arg9[%get3A_52] {strides = array<i32>} : memref<32xf32, #tpu.memory_space<vmem>>, vector<16xf32>,
    %get3A_54 = arith.constant 0 : index
    %get3A_55 = tpu.vector_load %arg10[%get3A_54] {strides = array<i32>} : memref<32xf32, #tpu.memory_space<vmem>>, vector<16xf32>,
    %get3A_56 = arith.constant 16 : index
    %get3A_57 = tpu.vector_load %arg10[%get3A_56] {strides = array<i32>} : memref<32xf32, #tpu.memory_space<vmem>>, vector<16xf32>,
    %get3A_58 = arith.constant 0 : index
    %get3A_59 = tpu.vector_load %arg11[%get3A_58] {strides = array<i32>} : memref<32xf32, #tpu.memory_space<vmem>>, vector<16xf32>,
    %get3A_60 = arith.constant 16 : index
    %get3A_61 = tpu.vector_load %arg11[%get3A_60] {strides = array<i32>} : memref<32xf32, #tpu.memory_space<vmem>>, vector<16xf32>,
    %mul3A_62 = arith.mulf %get3A_51, %get3A_51 : vector<16xf32>
    %mul3A_63 = arith.mulf %get3A_55, %get3A_55 : vector<16xf32>
    %add3A_64 = arith.addf %mul3A_62, %mul3A_63 : vector<16xf32>
    %mul3A_65 = arith.mulf %get3A_59, %get3A_59 : vector<16xf32>
    %add3A_66 = arith.addf %add3A_64, %mul3A_65 : vector<16xf32>
    %mul3A_67 = arith.mulf %get3A_53, %get3A_53 : vector<16xf32>
    %mul3A_68 = arith.mulf %get3A_57, %get3A_57 : vector<16xf32>
    %add3A_69 = arith.addf %mul3A_67, %mul3A_68 : vector<16xf32>
    %mul3A_70 = arith.mulf %get3A_61, %get3A_61 : vector<16xf32>
    %add3A_71 = arith.addf %add3A_69, %mul3A_70 : vector<16xf32>
    %bitcast3A = vector.bitcast %get3A_51 : vector<16xf32> to vector<16xi32>
    %shift_right_logical3A = arith.constant 16 : i32
    %shift_right_logical3A_72 = vector.broadcast %shift_right_logical3A : i32 to vector<16xi32>
    %shift_right_logical3A_73 = arith.shrui %bitcast3A, %shift_right_logical3A_72 : vector<16xi32>
    %and3A = arith.constant 1 : i32
    %and3A_74 = vector.broadcast %and3A : i32 to vector<16xi32>
    %and3A_75 = arith.andi %shift_right_logical3A_73, %and3A_74 : vector<16xi32>
    %add3A_76 = arith.constant 32767 : i32
    %add3A_77 = vector.broadcast %add3A_76 : i32 to vector<16xi32>
    %add3A_78 = arith.addi %bitcast3A, %add3A_77 : vector<16xi32>
    %add3A_79 = arith.addi %add3A_78, %and3A_75 : vector<16xi32>
    %and3A_80 = arith.constant -65536 : i32
    %and3A_81 = vector.broadcast %and3A_80 : i32 to vector<16xi32>
    %and3A_82 = arith.andi %add3A_79, %and3A_81 : vector<16xi32>
    %bitcast3A_83 = vector.bitcast %and3A_82 : vector<16xi32> to vector<16xf32>
    %bitcast3A_84 = vector.bitcast %get3A_53 : vector<16xf32> to vector<16xi32>
    %shift_right_logical3A_85 = arith.constant 16 : i32
    %shift_right_logical3A_86 = vector.broadcast %shift_right_logical3A_85 : i32 to vector<16xi32>
    %shift_right_logical3A_87 = arith.shrui %bitcast3A_84, %shift_right_logical3A_86 : vector<16xi32>
    %and3A_88 = arith.constant 1 : i32
    %and3A_89 = vector.broadcast %and3A_88 : i32 to vector<16xi32>
    %and3A_90 = arith.andi %shift_right_logical3A_87, %and3A_89 : vector<16xi32>
    %add3A_91 = arith.constant 32767 : i32
    %add3A_92 = vector.broadcast %add3A_91 : i32 to vector<16xi32>
    %add3A_93 = arith.addi %bitcast3A_84, %add3A_92 : vector<16xi32>
    %add3A_94 = arith.addi %add3A_93, %and3A_90 : vector<16xi32>
    %and3A_95 = arith.constant -65536 : i32
    %and3A_96 = vector.broadcast %and3A_95 : i32 to vector<16xi32>
    %and3A_97 = arith.andi %add3A_94, %and3A_96 : vector<16xi32>
    %bitcast3A_98 = vector.bitcast %and3A_97 : vector<16xi32> to vector<16xf32>
    %bitcast3A_99 = vector.bitcast %get3A_55 : vector<16xf32> to vector<16xi32>
    %shift_right_logical3A_100 = arith.constant 16 : i32
    %shift_right_logical3A_101 = vector.broadcast %shift_right_logical3A_100 : i32 to vector<16xi32>
    %shift_right_logical3A_102 = arith.shrui %bitcast3A_99, %shift_right_logical3A_101 : vector<16xi32>
    %and3A_103 = arith.constant 1 : i32
    %and3A_104 = vector.broadcast %and3A_103 : i32 to vector<16xi32>
    %and3A_105 = arith.andi %shift_right_logical3A_102, %and3A_104 : vector<16xi32>
    %add3A_106 = arith.constant 32767 : i32
    %add3A_107 = vector.broadcast %add3A_106 : i32 to vector<16xi32>
    %add3A_108 = arith.addi %bitcast3A_99, %add3A_107 : vector<16xi32>
    %add3A_109 = arith.addi %add3A_108, %and3A_105 : vector<16xi32>
    %and3A_110 = arith.constant -65536 : i32
    %and3A_111 = vector.broadcast %and3A_110 : i32 to vector<16xi32>
    %and3A_112 = arith.andi %add3A_109, %and3A_111 : vector<16xi32>
    %bitcast3A_113 = vector.bitcast %and3A_112 : vector<16xi32> to vector<16xf32>
    %bitcast3A_114 = vector.bitcast %get3A_57 : vector<16xf32> to vector<16xi32>
    %shift_right_logical3A_115 = arith.constant 16 : i32
    %shift_right_logical3A_116 = vector.broadcast %shift_right_logical3A_115 : i32 to vector<16xi32>
    %shift_right_logical3A_117 = arith.shrui %bitcast3A_114, %shift_right_logical3A_116 : vector<16xi32>
    %and3A_118 = arith.constant 1 : i32
    %and3A_119 = vector.broadcast %and3A_118 : i32 to vector<16xi32>
    %and3A_120 = arith.andi %shift_right_logical3A_117, %and3A_119 : vector<16xi32>
    %add3A_121 = arith.constant 32767 : i32
    %add3A_122 = vector.broadcast %add3A_121 : i32 to vector<16xi32>
    %add3A_123 = arith.addi %bitcast3A_114, %add3A_122 : vector<16xi32>
    %add3A_124 = arith.addi %add3A_123, %and3A_120 : vector<16xi32>
    %and3A_125 = arith.constant -65536 : i32
    %and3A_126 = vector.broadcast %and3A_125 : i32 to vector<16xi32>
    %and3A_127 = arith.andi %add3A_124, %and3A_126 : vector<16xi32>
    %bitcast3A_128 = vector.bitcast %and3A_127 : vector<16xi32> to vector<16xf32>
    %bitcast3A_129 = vector.bitcast %get3A_59 : vector<16xf32> to vector<16xi32>
    %shift_right_logical3A_130 = arith.constant 16 : i32
    %shift_right_logical3A_131 = vector.broadcast %shift_right_logical3A_130 : i32 to vector<16xi32>
    %shift_right_logical3A_132 = arith.shrui %bitcast3A_129, %shift_right_logical3A_131 : vector<16xi32>
    %and3A_133 = arith.constant 1 : i32
    %and3A_134 = vector.broadcast %and3A_133 : i32 to vector<16xi32>
    %and3A_135 = arith.andi %shift_right_logical3A_132, %and3A_134 : vector<16xi32>
    %add3A_136 = arith.constant 32767 : i32
    %add3A_137 = vector.broadcast %add3A_136 : i32 to vector<16xi32>
    %add3A_138 = arith.addi %bitcast3A_129, %add3A_137 : vector<16xi32>
    %add3A_139 = arith.addi %add3A_138, %and3A_135 : vector<16xi32>
    %and3A_140 = arith.constant -65536 : i32
    %and3A_141 = vector.broadcast %and3A_140 : i32 to vector<16xi32>
    %and3A_142 = arith.andi %add3A_139, %and3A_141 : vector<16xi32>
    %bitcast3A_143 = vector.bitcast %and3A_142 : vector<16xi32> to vector<16xf32>
    %bitcast3A_144 = vector.bitcast %get3A_61 : vector<16xf32> to vector<16xi32>
    %shift_right_logical3A_145 = arith.constant 16 : i32
    %shift_right_logical3A_146 = vector.broadcast %shift_right_logical3A_145 : i32 to vector<16xi32>
    %shift_right_logical3A_147 = arith.shrui %bitcast3A_144, %shift_right_logical3A_146 : vector<16xi32>
    %and3A_148 = arith.constant 1 : i32
    %and3A_149 = vector.broadcast %and3A_148 : i32 to vector<16xi32>
    %and3A_150 = arith.andi %shift_right_logical3A_147, %and3A_149 : vector<16xi32>
    %add3A_151 = arith.constant 32767 : i32
    %add3A_152 = vector.broadcast %add3A_151 : i32 to vector<16xi32>
    %add3A_153 = arith.addi %bitcast3A_144, %add3A_152 : vector<16xi32>
    %add3A_154 = arith.addi %add3A_153, %and3A_150 : vector<16xi32>
    %and3A_155 = arith.constant -65536 : i32
    %and3A_156 = vector.broadcast %and3A_155 : i32 to vector<16xi32>
    %and3A_157 = arith.andi %add3A_154, %and3A_156 : vector<16xi32>
    %bitcast3A_158 = vector.bitcast %and3A_157 : vector<16xi32> to vector<16xf32>
    %broadcast_in_dim3A_159 = arith.constant 0x7F800000 : f32
    %broadcast_in_dim3A_160 = vector.broadcast %broadcast_in_dim3A_159 : f32 to vector<16xf32>
    %broadcast_in_dim3A_161 = arith.constant 0x7F800000 : f32
    %broadcast_in_dim3A_162 = vector.broadcast %broadcast_in_dim3A_161 : f32 to vector<16xf32>
    %scan3A_163 = arith.constant 0 : i32
    %scan3A_164 = arith.constant 2368 : i32
    %scan3A_165 = arith.addi %scan3A_163, %scan3A_164 : i32
    %scan3A_166 = arith.constant 1 : i32
    %scan3A_167:2 = scf.for %scan3A_174 = %scan3A_163 to %scan3A_165 step %scan3A_166 iter_args(%scan3A_175 = %broadcast_in_dim3A_160, %scan3A_176 = %broadcast_in_dim3A_162) -> (vector<16xf32>, vector<16xf32>)  : i32 {
      %mul3A_177 = arith.constant 4 : i32
      %mul3A_178 = arith.muli %scan3A_174, %mul3A_177 : i32
      %broadcast_in_dim3A_179 = vector.broadcast %mul3A_178 : i32 to vector<16xi32>
      %add3A_180 = arith.constant 0 : i32
      %add3A_181 = vector.broadcast %add3A_180 : i32 to vector<16xi32>
      %add3A_182 = arith.addi %broadcast_in_dim3A_179, %add3A_181 : vector<16xi32>
      %gather3A = tpu.vector_load_idx %arg5[%add3A_182] : memref<9472xf32, #tpu.memory_space<vmem>>[vector<16xi32>], vector<16xf32>,
      %gather3A_183 = tpu.vector_load_idx %arg6[%add3A_182] : memref<9472xf32, #tpu.memory_space<vmem>>[vector<16xi32>], vector<16xf32>,
      %gather3A_184 = tpu.vector_load_idx %arg7[%add3A_182] : memref<9472xf32, #tpu.memory_space<vmem>>[vector<16xi32>], vector<16xf32>,
      %gather3A_185 = tpu.vector_load_idx %arg8[%add3A_182] : memref<9472xf32, #tpu.memory_space<vmem>>[vector<16xi32>], vector<16xf32>,
      %mul3A_186 = arith.mulf %bitcast3A_83, %gather3A : vector<16xf32>
      %mul3A_187 = arith.mulf %bitcast3A_113, %gather3A_183 : vector<16xf32>
      %add3A_188 = arith.addf %mul3A_186, %mul3A_187 : vector<16xf32>
      %mul3A_189 = arith.mulf %bitcast3A_143, %gather3A_184 : vector<16xf32>
      %add3A_190 = arith.addf %add3A_188, %mul3A_189 : vector<16xf32>
      %add3A_191 = arith.addf %gather3A_185, %add3A_66 : vector<16xf32>
      %add3A_192 = arith.addf %add3A_190, %add3A_190 : vector<16xf32>
      %sub3A = arith.subf %add3A_191, %add3A_192 : vector<16xf32>
      %min3A = arith.minimumf %scan3A_175, %sub3A : vector<16xf32>
      %mul3A_193 = arith.mulf %bitcast3A_98, %gather3A : vector<16xf32>
      %mul3A_194 = arith.mulf %bitcast3A_128, %gather3A_183 : vector<16xf32>
      %add3A_195 = arith.addf %mul3A_193, %mul3A_194 : vector<16xf32>
      %mul3A_196 = arith.mulf %bitcast3A_158, %gather3A_184 : vector<16xf32>
      %add3A_197 = arith.addf %add3A_195, %mul3A_196 : vector<16xf32>
      %add3A_198 = arith.addf %gather3A_185, %add3A_71 : vector<16xf32>
      %add3A_199 = arith.addf %add3A_197, %add3A_197 : vector<16xf32>
      %sub3A_200 = arith.subf %add3A_198, %add3A_199 : vector<16xf32>
      %min3A_201 = arith.minimumf %scan3A_176, %sub3A_200 : vector<16xf32>
      %add3A_202 = arith.constant 1 : i32
      %add3A_203 = vector.broadcast %add3A_202 : i32 to vector<16xi32>
      %add3A_204 = arith.addi %broadcast_in_dim3A_179, %add3A_203 : vector<16xi32>
      %gather3A_205 = tpu.vector_load_idx %arg5[%add3A_204] : memref<9472xf32, #tpu.memory_space<vmem>>[vector<16xi32>], vector<16xf32>,
      %gather3A_206 = tpu.vector_load_idx %arg6[%add3A_204] : memref<9472xf32, #tpu.memory_space<vmem>>[vector<16xi32>], vector<16xf32>,
      %gather3A_207 = tpu.vector_load_idx %arg7[%add3A_204] : memref<9472xf32, #tpu.memory_space<vmem>>[vector<16xi32>], vector<16xf32>,
      %gather3A_208 = tpu.vector_load_idx %arg8[%add3A_204] : memref<9472xf32, #tpu.memory_space<vmem>>[vector<16xi32>], vector<16xf32>,
      %mul3A_209 = arith.mulf %bitcast3A_83, %gather3A_205 : vector<16xf32>
      %mul3A_210 = arith.mulf %bitcast3A_113, %gather3A_206 : vector<16xf32>
      %add3A_211 = arith.addf %mul3A_209, %mul3A_210 : vector<16xf32>
      %mul3A_212 = arith.mulf %bitcast3A_143, %gather3A_207 : vector<16xf32>
      %add3A_213 = arith.addf %add3A_211, %mul3A_212 : vector<16xf32>
      %add3A_214 = arith.addf %gather3A_208, %add3A_66 : vector<16xf32>
      %add3A_215 = arith.addf %add3A_213, %add3A_213 : vector<16xf32>
      %sub3A_216 = arith.subf %add3A_214, %add3A_215 : vector<16xf32>
      %min3A_217 = arith.minimumf %min3A, %sub3A_216 : vector<16xf32>
      %mul3A_218 = arith.mulf %bitcast3A_98, %gather3A_205 : vector<16xf32>
      %mul3A_219 = arith.mulf %bitcast3A_128, %gather3A_206 : vector<16xf32>
      %add3A_220 = arith.addf %mul3A_218, %mul3A_219 : vector<16xf32>
      %mul3A_221 = arith.mulf %bitcast3A_158, %gather3A_207 : vector<16xf32>
      %add3A_222 = arith.addf %add3A_220, %mul3A_221 : vector<16xf32>
      %add3A_223 = arith.addf %gather3A_208, %add3A_71 : vector<16xf32>
      %add3A_224 = arith.addf %add3A_222, %add3A_222 : vector<16xf32>
      %sub3A_225 = arith.subf %add3A_223, %add3A_224 : vector<16xf32>
      %min3A_226 = arith.minimumf %min3A_201, %sub3A_225 : vector<16xf32>
      %add3A_227 = arith.constant 2 : i32
      %add3A_228 = vector.broadcast %add3A_227 : i32 to vector<16xi32>
      %add3A_229 = arith.addi %broadcast_in_dim3A_179, %add3A_228 : vector<16xi32>
      %gather3A_230 = tpu.vector_load_idx %arg5[%add3A_229] : memref<9472xf32, #tpu.memory_space<vmem>>[vector<16xi32>], vector<16xf32>,
      %gather3A_231 = tpu.vector_load_idx %arg6[%add3A_229] : memref<9472xf32, #tpu.memory_space<vmem>>[vector<16xi32>], vector<16xf32>,
      %gather3A_232 = tpu.vector_load_idx %arg7[%add3A_229] : memref<9472xf32, #tpu.memory_space<vmem>>[vector<16xi32>], vector<16xf32>,
      %gather3A_233 = tpu.vector_load_idx %arg8[%add3A_229] : memref<9472xf32, #tpu.memory_space<vmem>>[vector<16xi32>], vector<16xf32>,
      %mul3A_234 = arith.mulf %bitcast3A_83, %gather3A_230 : vector<16xf32>
      %mul3A_235 = arith.mulf %bitcast3A_113, %gather3A_231 : vector<16xf32>
      %add3A_236 = arith.addf %mul3A_234, %mul3A_235 : vector<16xf32>
      %mul3A_237 = arith.mulf %bitcast3A_143, %gather3A_232 : vector<16xf32>
      %add3A_238 = arith.addf %add3A_236, %mul3A_237 : vector<16xf32>
      %add3A_239 = arith.addf %gather3A_233, %add3A_66 : vector<16xf32>
      %add3A_240 = arith.addf %add3A_238, %add3A_238 : vector<16xf32>
      %sub3A_241 = arith.subf %add3A_239, %add3A_240 : vector<16xf32>
      %min3A_242 = arith.minimumf %min3A_217, %sub3A_241 : vector<16xf32>
      %mul3A_243 = arith.mulf %bitcast3A_98, %gather3A_230 : vector<16xf32>
      %mul3A_244 = arith.mulf %bitcast3A_128, %gather3A_231 : vector<16xf32>
      %add3A_245 = arith.addf %mul3A_243, %mul3A_244 : vector<16xf32>
      %mul3A_246 = arith.mulf %bitcast3A_158, %gather3A_232 : vector<16xf32>
      %add3A_247 = arith.addf %add3A_245, %mul3A_246 : vector<16xf32>
      %add3A_248 = arith.addf %gather3A_233, %add3A_71 : vector<16xf32>
      %add3A_249 = arith.addf %add3A_247, %add3A_247 : vector<16xf32>
      %sub3A_250 = arith.subf %add3A_248, %add3A_249 : vector<16xf32>
      %min3A_251 = arith.minimumf %min3A_226, %sub3A_250 : vector<16xf32>
      %add3A_252 = arith.constant 3 : i32
      %add3A_253 = vector.broadcast %add3A_252 : i32 to vector<16xi32>
      %add3A_254 = arith.addi %broadcast_in_dim3A_179, %add3A_253 : vector<16xi32>
      %gather3A_255 = tpu.vector_load_idx %arg5[%add3A_254] : memref<9472xf32, #tpu.memory_space<vmem>>[vector<16xi32>], vector<16xf32>,
      %gather3A_256 = tpu.vector_load_idx %arg6[%add3A_254] : memref<9472xf32, #tpu.memory_space<vmem>>[vector<16xi32>], vector<16xf32>,
      %gather3A_257 = tpu.vector_load_idx %arg7[%add3A_254] : memref<9472xf32, #tpu.memory_space<vmem>>[vector<16xi32>], vector<16xf32>,
      %gather3A_258 = tpu.vector_load_idx %arg8[%add3A_254] : memref<9472xf32, #tpu.memory_space<vmem>>[vector<16xi32>], vector<16xf32>,
      %mul3A_259 = arith.mulf %bitcast3A_83, %gather3A_255 : vector<16xf32>
      %mul3A_260 = arith.mulf %bitcast3A_113, %gather3A_256 : vector<16xf32>
      %add3A_261 = arith.addf %mul3A_259, %mul3A_260 : vector<16xf32>
      %mul3A_262 = arith.mulf %bitcast3A_143, %gather3A_257 : vector<16xf32>
      %add3A_263 = arith.addf %add3A_261, %mul3A_262 : vector<16xf32>
      %add3A_264 = arith.addf %gather3A_258, %add3A_66 : vector<16xf32>
      %add3A_265 = arith.addf %add3A_263, %add3A_263 : vector<16xf32>
      %sub3A_266 = arith.subf %add3A_264, %add3A_265 : vector<16xf32>
      %min3A_267 = arith.minimumf %min3A_242, %sub3A_266 : vector<16xf32>
      %mul3A_268 = arith.mulf %bitcast3A_98, %gather3A_255 : vector<16xf32>
      %mul3A_269 = arith.mulf %bitcast3A_128, %gather3A_256 : vector<16xf32>
      %add3A_270 = arith.addf %mul3A_268, %mul3A_269 : vector<16xf32>
      %mul3A_271 = arith.mulf %bitcast3A_158, %gather3A_257 : vector<16xf32>
      %add3A_272 = arith.addf %add3A_270, %mul3A_271 : vector<16xf32>
      %add3A_273 = arith.addf %gather3A_258, %add3A_71 : vector<16xf32>
      %add3A_274 = arith.addf %add3A_272, %add3A_272 : vector<16xf32>
      %sub3A_275 = arith.subf %add3A_273, %add3A_274 : vector<16xf32>
      %min3A_276 = arith.minimumf %min3A_251, %sub3A_275 : vector<16xf32>
      scf.yield %min3A_267, %min3A_276 : vector<16xf32>, vector<16xf32>
    }
    %scan3A_168 = arith.constant 2368 : i32
    %add3A_169 = arith.addf %broadcast_in_dim3A_50, %scan3A_167#0 : vector<16xf32>
    %add3A_170 = arith.addf %add3A_169, %scan3A_167#1 : vector<16xf32>
    %swap3A = arith.constant 0 : index
    %swap3A_171 = tpu.vector_load %arg12[%swap3A] {strides = array<i32>} : memref<16xf32, #tpu.memory_space<vmem>>, vector<16xf32>,
    tpu.vector_store %arg12[%swap3A], %add3A_170 {strides = array<i32>} : memref<16xf32, #tpu.memory_space<vmem>>, vector<16xf32>,
    %mul3A_172 = arith.constant 16 : i32
    %mul3A_173 = arith.muli %add3A, %mul3A_172 : i32
    "tpu.region"() ({
      %run_scoped3A = tpu.sem_alloc : memref<!tpu.dma_semaphore, #tpu.memory_space<semaphore_mem>>
      %dma_start3A = tpu.memref_slice %arg4[%mul3A_173] : memref<512xf32, #tpu.memory_space<hbm>> -> memref<16xf32, #tpu.memory_space<hbm>>
      %dma_start3A_174 = tpu.memref_slice %arg4[%mul3A_173] : memref<512xf32, #tpu.memory_space<hbm>> -> memref<16xf32, #tpu.memory_space<hbm>>
      tpu.enqueue_dma source(%arg12 : memref<16xf32, #tpu.memory_space<vmem>>) target(%dma_start3A_174 : memref<16xf32, #tpu.memory_space<hbm>>) target_semaphore(%run_scoped3A : memref<!tpu.dma_semaphore, #tpu.memory_space<semaphore_mem>>)
      %dma_wait3A = tpu.memref_slice %arg4[%mul3A_173] : memref<512xf32, #tpu.memory_space<hbm>> -> memref<16xf32, #tpu.memory_space<hbm>>
      %dma_wait3A_175 = tpu.memref_slice %arg4[%mul3A_173] : memref<512xf32, #tpu.memory_space<hbm>> -> memref<16xf32, #tpu.memory_space<hbm>>
      tpu.wait_dma2 semaphore(%run_scoped3A : memref<!tpu.dma_semaphore, #tpu.memory_space<semaphore_mem>>) src(%arg12 : memref<16xf32, #tpu.memory_space<vmem>>) dst(%dma_wait3A_175 : memref<16xf32, #tpu.memory_space<hbm>>)
      tpu.yield
    }) : () -> ()
    return
  }
}

module attributes {stable_mosaic.version = 14 : i64} {
  func.func @_refine_body(%arg0: i32, %arg1: memref<97x33xf32, #tpu.memory_space<vmem>>, %arg2: memref<33x97xf32, #tpu.memory_space<vmem>>, %arg3: memref<1x33x33xf32, #tpu.memory_space<vmem>>, %arg4: memref<1x97x97xf32, #tpu.memory_space<vmem>>) attributes {dimension_semantics = [#tpu.dimension_semantics<arbitrary>], iteration_bounds = array<i64: 6>, scalar_prefetch = 0 : i64, scratch_operands = 0 : i64, tpu.core_type = #tpu.core_type<tc>, window_params = [{pipeline_mode = #tpu.pipeline_mode<synchronous>, transform_indices = @transform_0, window_bounds = array<i64: 97, 33>}, {pipeline_mode = #tpu.pipeline_mode<synchronous>, transform_indices = @transform_1, window_bounds = array<i64: 33, 97>}, {transform_indices = @transform_2, window_bounds = array<i64: 1, 33, 33>}, {transform_indices = @transform_3, window_bounds = array<i64: 1, 97, 97>}]} {
    %get3A = arith.constant 0 : index
    %get3A_0 = arith.constant 0 : index
    %get3A_1 = arith.constant 0 : index
    %get3A_2 = vector.load %arg3[%get3A, %get3A_0, %get3A_1] : memref<1x33x33xf32, #tpu.memory_space<vmem>>, vector<1x33x33xf32>
    %get3A_3 = vector.shape_cast %get3A_2 : vector<1x33x33xf32> to vector<33x33xf32>
    %get3A_4 = arith.constant 0 : index
    %get3A_5 = arith.constant 0 : index
    %get3A_6 = vector.load %arg1[%get3A_4, %get3A_5] : memref<97x33xf32, #tpu.memory_space<vmem>>, vector<97x33xf32>
    %dot_general3A = arith.constant dense<0.000000e+00> : vector<97x33xf32>
    %dot_general3A_7 = tpu.matmul %get3A_6, %get3A_3, %dot_general3A {dimension_numbers = #tpu.dot_dimension_numbers<[1], [0], [0], [1], [0, 0, 1, 1], [], []>, precision = #tpu.contract_precision<fp32>, transpose_lhs_hint = false} : vector<97x33xf32>, vector<33x33xf32>, vector<97x33xf32> -> vector<97x33xf32>
    %get3A_8 = arith.constant 0 : index
    %get3A_9 = arith.constant 0 : index
    %get3A_10 = vector.load %arg2[%get3A_8, %get3A_9] : memref<33x97xf32, #tpu.memory_space<vmem>>, vector<33x97xf32>
    %dot_general3A_11 = arith.constant dense<0.000000e+00> : vector<97x97xf32>
    %dot_general3A_12 = tpu.matmul %dot_general3A_7, %get3A_10, %dot_general3A_11 {dimension_numbers = #tpu.dot_dimension_numbers<[1], [0], [0], [1], [0, 0, 1, 1], [], []>, precision = #tpu.contract_precision<fp32>, transpose_lhs_hint = false} : vector<97x33xf32>, vector<33x97xf32>, vector<97x97xf32> -> vector<97x97xf32>
    %swap3A = arith.constant 0 : index
    %swap3A_13 = arith.constant 0 : index
    %swap3A_14 = arith.constant 0 : index
    %swap3A_15 = vector.load %arg4[%swap3A, %swap3A_13, %swap3A_14] : memref<1x97x97xf32, #tpu.memory_space<vmem>>, vector<1x97x97xf32>
    %swap3A_16 = vector.shape_cast %swap3A_15 : vector<1x97x97xf32> to vector<97x97xf32>
    %swap3A_17 = vector.shape_cast %dot_general3A_12 : vector<97x97xf32> to vector<1x97x97xf32>
    tpu.vector_store %arg4[%swap3A, %swap3A_13, %swap3A_14], %swap3A_17 {strides = array<i32>} : memref<1x97x97xf32, #tpu.memory_space<vmem>>, vector<1x97x97xf32>,
    return
  }
  func.func @transform_0(%arg0: i32) -> (i32, i32) {
    %c0_i32 = arith.constant 0 : i32
    %c0_i32_0 = arith.constant 0 : i32
    %c0_i32_1 = arith.constant 0 : i32
    return %c0_i32, %c0_i32_0 : i32, i32
  }
  func.func @transform_1(%arg0: i32) -> (i32, i32) {
    %c0_i32 = arith.constant 0 : i32
    %c0_i32_0 = arith.constant 0 : i32
    %c0_i32_1 = arith.constant 0 : i32
    return %c0_i32, %c0_i32_0 : i32, i32
  }
  func.func @transform_2(%arg0: i32) -> (i32, i32, i32) {
    %c0_i32 = arith.constant 0 : i32
    %c0_i32_0 = arith.constant 0 : i32
    %c0_i32_1 = arith.constant 0 : i32
    return %arg0, %c0_i32, %c0_i32_0 : i32, i32, i32
  }
  func.func @transform_3(%arg0: i32) -> (i32, i32, i32) {
    %c0_i32 = arith.constant 0 : i32
    %c0_i32_0 = arith.constant 0 : i32
    %c0_i32_1 = arith.constant 0 : i32
    return %arg0, %c0_i32, %c0_i32_0 : i32, i32, i32
  }
}

module attributes {stable_mosaic.version = 14 : i64} {
  func.func @_tc_body(%arg0: i32, %arg1: i32, %arg2: memref<1x3x9472xf32, #tpu.memory_space<vmem>>, %arg3: memref<1x3x9472xbf16, #tpu.memory_space<vmem>>, %arg4: memref<1x512x3xbf16, #tpu.memory_space<vmem>>, %arg5: memref<1x3x512xf32, #tpu.memory_space<vmem>>, %arg6: memref<1x1x512xf32, #tpu.memory_space<vmem>>, %arg7: memref<1x9472xf32, #tpu.memory_space<vmem>>) attributes {dimension_semantics = [#tpu.dimension_semantics<arbitrary>, #tpu.dimension_semantics<arbitrary>], iteration_bounds = array<i64: 2, 7>, scalar_prefetch = 0 : i64, scratch_operands = 1 : i64, tpu.core_type = #tpu.core_type<tc>, window_params = [{transform_indices = @transform_0, window_bounds = array<i64: 1, 3, 9472>}, {transform_indices = @transform_1, window_bounds = array<i64: 1, 3, 9472>}, {transform_indices = @transform_2, window_bounds = array<i64: 1, 512, 3>}, {transform_indices = @transform_3, window_bounds = array<i64: 1, 3, 512>}, {transform_indices = @transform_4, window_bounds = array<i64: 1, 1, 512>}]} {
    %eq3A = arith.constant 0 : i32
    %eq3A_0 = arith.cmpi eq, %arg1, %eq3A : i32
    %convert_element_type3A = arith.extui %eq3A_0 : i1 to i32
    %cond3A = arith.constant 0 : i32
    %cond3A_1 = arith.cmpi ne, %convert_element_type3A, %cond3A : i32
    scf.if %cond3A_1 {
      %get3A_498 = arith.constant 0 : index
      %get3A_499 = arith.constant 0 : index
      %get3A_500 = arith.constant 0 : index
      %get3A_501 = vector.load %arg2[%get3A_498, %get3A_499, %get3A_500] : memref<1x3x9472xf32, #tpu.memory_space<vmem>>, vector<1x3x9472xf32>
      %get3A_502 = vector.shape_cast %get3A_501 : vector<1x3x9472xf32> to vector<3x9472xf32>
      %mul3A_503 = arith.mulf %get3A_502, %get3A_502 : vector<3x9472xf32>
      %reduce_sum3A_504 = arith.constant dense<0.000000e+00> : vector<9472xf32>
      %reduce_sum3A_505 = vector.multi_reduction <add>, %mul3A_503, %reduce_sum3A_504 [0] : vector<3x9472xf32> to vector<9472xf32>
      %broadcast_in_dim3A_506 = vector.shape_cast %reduce_sum3A_505 : vector<9472xf32> to vector<1x9472xf32>
      %swap3A_507 = arith.constant 0 : index
      %swap3A_508 = arith.constant 0 : index
      %swap3A_509 = vector.load %arg7[%swap3A_507, %swap3A_508] : memref<1x9472xf32, #tpu.memory_space<vmem>>, vector<1x9472xf32>
      tpu.vector_store %arg7[%swap3A_507, %swap3A_508], %broadcast_in_dim3A_506 {strides = array<i32>} : memref<1x9472xf32, #tpu.memory_space<vmem>>, vector<1x9472xf32>,
    } else {
    }
    %get3A = arith.constant 0 : index
    %get3A_2 = arith.constant 0 : index
    %get3A_3 = arith.constant 0 : index
    %get3A_4 = vector.load %arg4[%get3A, %get3A_2, %get3A_3] : memref<1x512x3xbf16, #tpu.memory_space<vmem>>, vector<1x512x3xbf16>
    %get3A_5 = vector.shape_cast %get3A_4 : vector<1x512x3xbf16> to vector<512x3xbf16>
    %broadcast_in_dim3A = arith.constant 0x7F800000 : f32
    %broadcast_in_dim3A_6 = vector.broadcast %broadcast_in_dim3A : f32 to vector<512x256xf32>
    %get3A_7 = arith.constant 0 : index
    %get3A_8 = arith.constant 0 : index
    %get3A_9 = arith.constant 0 : index
    %get3A_10 = vector.load %arg3[%get3A_7, %get3A_8, %get3A_9] : memref<1x3x9472xbf16, #tpu.memory_space<vmem>>, vector<1x3x256xbf16>
    %get3A_11 = vector.shape_cast %get3A_10 : vector<1x3x256xbf16> to vector<3x256xbf16>
    %dot_general3A = arith.constant dense<0.000000e+00> : vector<512x256xf32>
    %dot_general3A_12 = tpu.matmul %get3A_5, %get3A_11, %dot_general3A {dimension_numbers = #tpu.dot_dimension_numbers<[1], [0], [0], [1], [0, 0, 1, 1], [], []>, transpose_lhs_hint = false} : vector<512x3xbf16>, vector<3x256xbf16>, vector<512x256xf32> -> vector<512x256xf32>
    %get3A_13 = arith.constant 0 : index
    %get3A_14 = arith.constant 0 : index
    %get3A_15 = vector.load %arg7[%get3A_13, %get3A_14] : memref<1x9472xf32, #tpu.memory_space<vmem>>, vector<1x256xf32>
    %add3A = vector.broadcast %get3A_15 : vector<1x256xf32> to vector<512x256xf32>
    %add3A_16 = arith.addf %dot_general3A_12, %add3A : vector<512x256xf32>
    %min3A = arith.minimumf %broadcast_in_dim3A_6, %add3A_16 : vector<512x256xf32>
    %get3A_17 = arith.constant 0 : index
    %get3A_18 = arith.constant 0 : index
    %get3A_19 = arith.constant 256 : index
    %get3A_20 = vector.load %arg3[%get3A_17, %get3A_18, %get3A_19] : memref<1x3x9472xbf16, #tpu.memory_space<vmem>>, vector<1x3x256xbf16>
    %get3A_21 = vector.shape_cast %get3A_20 : vector<1x3x256xbf16> to vector<3x256xbf16>
    %dot_general3A_22 = arith.constant dense<0.000000e+00> : vector<512x256xf32>
    %dot_general3A_23 = tpu.matmul %get3A_5, %get3A_21, %dot_general3A_22 {dimension_numbers = #tpu.dot_dimension_numbers<[1], [0], [0], [1], [0, 0, 1, 1], [], []>, transpose_lhs_hint = false} : vector<512x3xbf16>, vector<3x256xbf16>, vector<512x256xf32> -> vector<512x256xf32>
    %get3A_24 = arith.constant 0 : index
    %get3A_25 = arith.constant 256 : index
    %get3A_26 = vector.load %arg7[%get3A_24, %get3A_25] : memref<1x9472xf32, #tpu.memory_space<vmem>>, vector<1x256xf32>
    %add3A_27 = vector.broadcast %get3A_26 : vector<1x256xf32> to vector<512x256xf32>
    %add3A_28 = arith.addf %dot_general3A_23, %add3A_27 : vector<512x256xf32>
    %min3A_29 = arith.minimumf %min3A, %add3A_28 : vector<512x256xf32>
    %get3A_30 = arith.constant 0 : index
    %get3A_31 = arith.constant 0 : index
    %get3A_32 = arith.constant 512 : index
    %get3A_33 = vector.load %arg3[%get3A_30, %get3A_31, %get3A_32] : memref<1x3x9472xbf16, #tpu.memory_space<vmem>>, vector<1x3x256xbf16>
    %get3A_34 = vector.shape_cast %get3A_33 : vector<1x3x256xbf16> to vector<3x256xbf16>
    %dot_general3A_35 = arith.constant dense<0.000000e+00> : vector<512x256xf32>
    %dot_general3A_36 = tpu.matmul %get3A_5, %get3A_34, %dot_general3A_35 {dimension_numbers = #tpu.dot_dimension_numbers<[1], [0], [0], [1], [0, 0, 1, 1], [], []>, transpose_lhs_hint = false} : vector<512x3xbf16>, vector<3x256xbf16>, vector<512x256xf32> -> vector<512x256xf32>
    %get3A_37 = arith.constant 0 : index
    %get3A_38 = arith.constant 512 : index
    %get3A_39 = vector.load %arg7[%get3A_37, %get3A_38] : memref<1x9472xf32, #tpu.memory_space<vmem>>, vector<1x256xf32>
    %add3A_40 = vector.broadcast %get3A_39 : vector<1x256xf32> to vector<512x256xf32>
    %add3A_41 = arith.addf %dot_general3A_36, %add3A_40 : vector<512x256xf32>
    %min3A_42 = arith.minimumf %min3A_29, %add3A_41 : vector<512x256xf32>
    %get3A_43 = arith.constant 0 : index
    %get3A_44 = arith.constant 0 : index
    %get3A_45 = arith.constant 768 : index
    %get3A_46 = vector.load %arg3[%get3A_43, %get3A_44, %get3A_45] : memref<1x3x9472xbf16, #tpu.memory_space<vmem>>, vector<1x3x256xbf16>
    %get3A_47 = vector.shape_cast %get3A_46 : vector<1x3x256xbf16> to vector<3x256xbf16>
    %dot_general3A_48 = arith.constant dense<0.000000e+00> : vector<512x256xf32>
    %dot_general3A_49 = tpu.matmul %get3A_5, %get3A_47, %dot_general3A_48 {dimension_numbers = #tpu.dot_dimension_numbers<[1], [0], [0], [1], [0, 0, 1, 1], [], []>, transpose_lhs_hint = false} : vector<512x3xbf16>, vector<3x256xbf16>, vector<512x256xf32> -> vector<512x256xf32>
    %get3A_50 = arith.constant 0 : index
    %get3A_51 = arith.constant 768 : index
    %get3A_52 = vector.load %arg7[%get3A_50, %get3A_51] : memref<1x9472xf32, #tpu.memory_space<vmem>>, vector<1x256xf32>
    %add3A_53 = vector.broadcast %get3A_52 : vector<1x256xf32> to vector<512x256xf32>
    %add3A_54 = arith.addf %dot_general3A_49, %add3A_53 : vector<512x256xf32>
    %min3A_55 = arith.minimumf %min3A_42, %add3A_54 : vector<512x256xf32>
    %get3A_56 = arith.constant 0 : index
    %get3A_57 = arith.constant 0 : index
    %get3A_58 = arith.constant 1024 : index
    %get3A_59 = vector.load %arg3[%get3A_56, %get3A_57, %get3A_58] : memref<1x3x9472xbf16, #tpu.memory_space<vmem>>, vector<1x3x256xbf16>
    %get3A_60 = vector.shape_cast %get3A_59 : vector<1x3x256xbf16> to vector<3x256xbf16>
    %dot_general3A_61 = arith.constant dense<0.000000e+00> : vector<512x256xf32>
    %dot_general3A_62 = tpu.matmul %get3A_5, %get3A_60, %dot_general3A_61 {dimension_numbers = #tpu.dot_dimension_numbers<[1], [0], [0], [1], [0, 0, 1, 1], [], []>, transpose_lhs_hint = false} : vector<512x3xbf16>, vector<3x256xbf16>, vector<512x256xf32> -> vector<512x256xf32>
    %get3A_63 = arith.constant 0 : index
    %get3A_64 = arith.constant 1024 : index
    %get3A_65 = vector.load %arg7[%get3A_63, %get3A_64] : memref<1x9472xf32, #tpu.memory_space<vmem>>, vector<1x256xf32>
    %add3A_66 = vector.broadcast %get3A_65 : vector<1x256xf32> to vector<512x256xf32>
    %add3A_67 = arith.addf %dot_general3A_62, %add3A_66 : vector<512x256xf32>
    %min3A_68 = arith.minimumf %min3A_55, %add3A_67 : vector<512x256xf32>
    %get3A_69 = arith.constant 0 : index
    %get3A_70 = arith.constant 0 : index
    %get3A_71 = arith.constant 1280 : index
    %get3A_72 = vector.load %arg3[%get3A_69, %get3A_70, %get3A_71] : memref<1x3x9472xbf16, #tpu.memory_space<vmem>>, vector<1x3x256xbf16>
    %get3A_73 = vector.shape_cast %get3A_72 : vector<1x3x256xbf16> to vector<3x256xbf16>
    %dot_general3A_74 = arith.constant dense<0.000000e+00> : vector<512x256xf32>
    %dot_general3A_75 = tpu.matmul %get3A_5, %get3A_73, %dot_general3A_74 {dimension_numbers = #tpu.dot_dimension_numbers<[1], [0], [0], [1], [0, 0, 1, 1], [], []>, transpose_lhs_hint = false} : vector<512x3xbf16>, vector<3x256xbf16>, vector<512x256xf32> -> vector<512x256xf32>
    %get3A_76 = arith.constant 0 : index
    %get3A_77 = arith.constant 1280 : index
    %get3A_78 = vector.load %arg7[%get3A_76, %get3A_77] : memref<1x9472xf32, #tpu.memory_space<vmem>>, vector<1x256xf32>
    %add3A_79 = vector.broadcast %get3A_78 : vector<1x256xf32> to vector<512x256xf32>
    %add3A_80 = arith.addf %dot_general3A_75, %add3A_79 : vector<512x256xf32>
    %min3A_81 = arith.minimumf %min3A_68, %add3A_80 : vector<512x256xf32>
    %get3A_82 = arith.constant 0 : index
    %get3A_83 = arith.constant 0 : index
    %get3A_84 = arith.constant 1536 : index
    %get3A_85 = vector.load %arg3[%get3A_82, %get3A_83, %get3A_84] : memref<1x3x9472xbf16, #tpu.memory_space<vmem>>, vector<1x3x256xbf16>
    %get3A_86 = vector.shape_cast %get3A_85 : vector<1x3x256xbf16> to vector<3x256xbf16>
    %dot_general3A_87 = arith.constant dense<0.000000e+00> : vector<512x256xf32>
    %dot_general3A_88 = tpu.matmul %get3A_5, %get3A_86, %dot_general3A_87 {dimension_numbers = #tpu.dot_dimension_numbers<[1], [0], [0], [1], [0, 0, 1, 1], [], []>, transpose_lhs_hint = false} : vector<512x3xbf16>, vector<3x256xbf16>, vector<512x256xf32> -> vector<512x256xf32>
    %get3A_89 = arith.constant 0 : index
    %get3A_90 = arith.constant 1536 : index
    %get3A_91 = vector.load %arg7[%get3A_89, %get3A_90] : memref<1x9472xf32, #tpu.memory_space<vmem>>, vector<1x256xf32>
    %add3A_92 = vector.broadcast %get3A_91 : vector<1x256xf32> to vector<512x256xf32>
    %add3A_93 = arith.addf %dot_general3A_88, %add3A_92 : vector<512x256xf32>
    %min3A_94 = arith.minimumf %min3A_81, %add3A_93 : vector<512x256xf32>
    %get3A_95 = arith.constant 0 : index
    %get3A_96 = arith.constant 0 : index
    %get3A_97 = arith.constant 1792 : index
    %get3A_98 = vector.load %arg3[%get3A_95, %get3A_96, %get3A_97] : memref<1x3x9472xbf16, #tpu.memory_space<vmem>>, vector<1x3x256xbf16>
    %get3A_99 = vector.shape_cast %get3A_98 : vector<1x3x256xbf16> to vector<3x256xbf16>
    %dot_general3A_100 = arith.constant dense<0.000000e+00> : vector<512x256xf32>
    %dot_general3A_101 = tpu.matmul %get3A_5, %get3A_99, %dot_general3A_100 {dimension_numbers = #tpu.dot_dimension_numbers<[1], [0], [0], [1], [0, 0, 1, 1], [], []>, transpose_lhs_hint = false} : vector<512x3xbf16>, vector<3x256xbf16>, vector<512x256xf32> -> vector<512x256xf32>
    %get3A_102 = arith.constant 0 : index
    %get3A_103 = arith.constant 1792 : index
    %get3A_104 = vector.load %arg7[%get3A_102, %get3A_103] : memref<1x9472xf32, #tpu.memory_space<vmem>>, vector<1x256xf32>
    %add3A_105 = vector.broadcast %get3A_104 : vector<1x256xf32> to vector<512x256xf32>
    %add3A_106 = arith.addf %dot_general3A_101, %add3A_105 : vector<512x256xf32>
    %min3A_107 = arith.minimumf %min3A_94, %add3A_106 : vector<512x256xf32>
    %get3A_108 = arith.constant 0 : index
    %get3A_109 = arith.constant 0 : index
    %get3A_110 = arith.constant 2048 : index
    %get3A_111 = vector.load %arg3[%get3A_108, %get3A_109, %get3A_110] : memref<1x3x9472xbf16, #tpu.memory_space<vmem>>, vector<1x3x256xbf16>
    %get3A_112 = vector.shape_cast %get3A_111 : vector<1x3x256xbf16> to vector<3x256xbf16>
    %dot_general3A_113 = arith.constant dense<0.000000e+00> : vector<512x256xf32>
    %dot_general3A_114 = tpu.matmul %get3A_5, %get3A_112, %dot_general3A_113 {dimension_numbers = #tpu.dot_dimension_numbers<[1], [0], [0], [1], [0, 0, 1, 1], [], []>, transpose_lhs_hint = false} : vector<512x3xbf16>, vector<3x256xbf16>, vector<512x256xf32> -> vector<512x256xf32>
    %get3A_115 = arith.constant 0 : index
    %get3A_116 = arith.constant 2048 : index
    %get3A_117 = vector.load %arg7[%get3A_115, %get3A_116] : memref<1x9472xf32, #tpu.memory_space<vmem>>, vector<1x256xf32>
    %add3A_118 = vector.broadcast %get3A_117 : vector<1x256xf32> to vector<512x256xf32>
    %add3A_119 = arith.addf %dot_general3A_114, %add3A_118 : vector<512x256xf32>
    %min3A_120 = arith.minimumf %min3A_107, %add3A_119 : vector<512x256xf32>
    %get3A_121 = arith.constant 0 : index
    %get3A_122 = arith.constant 0 : index
    %get3A_123 = arith.constant 2304 : index
    %get3A_124 = vector.load %arg3[%get3A_121, %get3A_122, %get3A_123] : memref<1x3x9472xbf16, #tpu.memory_space<vmem>>, vector<1x3x256xbf16>
    %get3A_125 = vector.shape_cast %get3A_124 : vector<1x3x256xbf16> to vector<3x256xbf16>
    %dot_general3A_126 = arith.constant dense<0.000000e+00> : vector<512x256xf32>
    %dot_general3A_127 = tpu.matmul %get3A_5, %get3A_125, %dot_general3A_126 {dimension_numbers = #tpu.dot_dimension_numbers<[1], [0], [0], [1], [0, 0, 1, 1], [], []>, transpose_lhs_hint = false} : vector<512x3xbf16>, vector<3x256xbf16>, vector<512x256xf32> -> vector<512x256xf32>
    %get3A_128 = arith.constant 0 : index
    %get3A_129 = arith.constant 2304 : index
    %get3A_130 = vector.load %arg7[%get3A_128, %get3A_129] : memref<1x9472xf32, #tpu.memory_space<vmem>>, vector<1x256xf32>
    %add3A_131 = vector.broadcast %get3A_130 : vector<1x256xf32> to vector<512x256xf32>
    %add3A_132 = arith.addf %dot_general3A_127, %add3A_131 : vector<512x256xf32>
    %min3A_133 = arith.minimumf %min3A_120, %add3A_132 : vector<512x256xf32>
    %get3A_134 = arith.constant 0 : index
    %get3A_135 = arith.constant 0 : index
    %get3A_136 = arith.constant 2560 : index
    %get3A_137 = vector.load %arg3[%get3A_134, %get3A_135, %get3A_136] : memref<1x3x9472xbf16, #tpu.memory_space<vmem>>, vector<1x3x256xbf16>
    %get3A_138 = vector.shape_cast %get3A_137 : vector<1x3x256xbf16> to vector<3x256xbf16>
    %dot_general3A_139 = arith.constant dense<0.000000e+00> : vector<512x256xf32>
    %dot_general3A_140 = tpu.matmul %get3A_5, %get3A_138, %dot_general3A_139 {dimension_numbers = #tpu.dot_dimension_numbers<[1], [0], [0], [1], [0, 0, 1, 1], [], []>, transpose_lhs_hint = false} : vector<512x3xbf16>, vector<3x256xbf16>, vector<512x256xf32> -> vector<512x256xf32>
    %get3A_141 = arith.constant 0 : index
    %get3A_142 = arith.constant 2560 : index
    %get3A_143 = vector.load %arg7[%get3A_141, %get3A_142] : memref<1x9472xf32, #tpu.memory_space<vmem>>, vector<1x256xf32>
    %add3A_144 = vector.broadcast %get3A_143 : vector<1x256xf32> to vector<512x256xf32>
    %add3A_145 = arith.addf %dot_general3A_140, %add3A_144 : vector<512x256xf32>
    %min3A_146 = arith.minimumf %min3A_133, %add3A_145 : vector<512x256xf32>
    %get3A_147 = arith.constant 0 : index
    %get3A_148 = arith.constant 0 : index
    %get3A_149 = arith.constant 2816 : index
    %get3A_150 = vector.load %arg3[%get3A_147, %get3A_148, %get3A_149] : memref<1x3x9472xbf16, #tpu.memory_space<vmem>>, vector<1x3x256xbf16>
    %get3A_151 = vector.shape_cast %get3A_150 : vector<1x3x256xbf16> to vector<3x256xbf16>
    %dot_general3A_152 = arith.constant dense<0.000000e+00> : vector<512x256xf32>
    %dot_general3A_153 = tpu.matmul %get3A_5, %get3A_151, %dot_general3A_152 {dimension_numbers = #tpu.dot_dimension_numbers<[1], [0], [0], [1], [0, 0, 1, 1], [], []>, transpose_lhs_hint = false} : vector<512x3xbf16>, vector<3x256xbf16>, vector<512x256xf32> -> vector<512x256xf32>
    %get3A_154 = arith.constant 0 : index
    %get3A_155 = arith.constant 2816 : index
    %get3A_156 = vector.load %arg7[%get3A_154, %get3A_155] : memref<1x9472xf32, #tpu.memory_space<vmem>>, vector<1x256xf32>
    %add3A_157 = vector.broadcast %get3A_156 : vector<1x256xf32> to vector<512x256xf32>
    %add3A_158 = arith.addf %dot_general3A_153, %add3A_157 : vector<512x256xf32>
    %min3A_159 = arith.minimumf %min3A_146, %add3A_158 : vector<512x256xf32>
    %get3A_160 = arith.constant 0 : index
    %get3A_161 = arith.constant 0 : index
    %get3A_162 = arith.constant 3072 : index
    %get3A_163 = vector.load %arg3[%get3A_160, %get3A_161, %get3A_162] : memref<1x3x9472xbf16, #tpu.memory_space<vmem>>, vector<1x3x256xbf16>
    %get3A_164 = vector.shape_cast %get3A_163 : vector<1x3x256xbf16> to vector<3x256xbf16>
    %dot_general3A_165 = arith.constant dense<0.000000e+00> : vector<512x256xf32>
    %dot_general3A_166 = tpu.matmul %get3A_5, %get3A_164, %dot_general3A_165 {dimension_numbers = #tpu.dot_dimension_numbers<[1], [0], [0], [1], [0, 0, 1, 1], [], []>, transpose_lhs_hint = false} : vector<512x3xbf16>, vector<3x256xbf16>, vector<512x256xf32> -> vector<512x256xf32>
    %get3A_167 = arith.constant 0 : index
    %get3A_168 = arith.constant 3072 : index
    %get3A_169 = vector.load %arg7[%get3A_167, %get3A_168] : memref<1x9472xf32, #tpu.memory_space<vmem>>, vector<1x256xf32>
    %add3A_170 = vector.broadcast %get3A_169 : vector<1x256xf32> to vector<512x256xf32>
    %add3A_171 = arith.addf %dot_general3A_166, %add3A_170 : vector<512x256xf32>
    %min3A_172 = arith.minimumf %min3A_159, %add3A_171 : vector<512x256xf32>
    %get3A_173 = arith.constant 0 : index
    %get3A_174 = arith.constant 0 : index
    %get3A_175 = arith.constant 3328 : index
    %get3A_176 = vector.load %arg3[%get3A_173, %get3A_174, %get3A_175] : memref<1x3x9472xbf16, #tpu.memory_space<vmem>>, vector<1x3x256xbf16>
    %get3A_177 = vector.shape_cast %get3A_176 : vector<1x3x256xbf16> to vector<3x256xbf16>
    %dot_general3A_178 = arith.constant dense<0.000000e+00> : vector<512x256xf32>
    %dot_general3A_179 = tpu.matmul %get3A_5, %get3A_177, %dot_general3A_178 {dimension_numbers = #tpu.dot_dimension_numbers<[1], [0], [0], [1], [0, 0, 1, 1], [], []>, transpose_lhs_hint = false} : vector<512x3xbf16>, vector<3x256xbf16>, vector<512x256xf32> -> vector<512x256xf32>
    %get3A_180 = arith.constant 0 : index
    %get3A_181 = arith.constant 3328 : index
    %get3A_182 = vector.load %arg7[%get3A_180, %get3A_181] : memref<1x9472xf32, #tpu.memory_space<vmem>>, vector<1x256xf32>
    %add3A_183 = vector.broadcast %get3A_182 : vector<1x256xf32> to vector<512x256xf32>
    %add3A_184 = arith.addf %dot_general3A_179, %add3A_183 : vector<512x256xf32>
    %min3A_185 = arith.minimumf %min3A_172, %add3A_184 : vector<512x256xf32>
    %get3A_186 = arith.constant 0 : index
    %get3A_187 = arith.constant 0 : index
    %get3A_188 = arith.constant 3584 : index
    %get3A_189 = vector.load %arg3[%get3A_186, %get3A_187, %get3A_188] : memref<1x3x9472xbf16, #tpu.memory_space<vmem>>, vector<1x3x256xbf16>
    %get3A_190 = vector.shape_cast %get3A_189 : vector<1x3x256xbf16> to vector<3x256xbf16>
    %dot_general3A_191 = arith.constant dense<0.000000e+00> : vector<512x256xf32>
    %dot_general3A_192 = tpu.matmul %get3A_5, %get3A_190, %dot_general3A_191 {dimension_numbers = #tpu.dot_dimension_numbers<[1], [0], [0], [1], [0, 0, 1, 1], [], []>, transpose_lhs_hint = false} : vector<512x3xbf16>, vector<3x256xbf16>, vector<512x256xf32> -> vector<512x256xf32>
    %get3A_193 = arith.constant 0 : index
    %get3A_194 = arith.constant 3584 : index
    %get3A_195 = vector.load %arg7[%get3A_193, %get3A_194] : memref<1x9472xf32, #tpu.memory_space<vmem>>, vector<1x256xf32>
    %add3A_196 = vector.broadcast %get3A_195 : vector<1x256xf32> to vector<512x256xf32>
    %add3A_197 = arith.addf %dot_general3A_192, %add3A_196 : vector<512x256xf32>
    %min3A_198 = arith.minimumf %min3A_185, %add3A_197 : vector<512x256xf32>
    %get3A_199 = arith.constant 0 : index
    %get3A_200 = arith.constant 0 : index
    %get3A_201 = arith.constant 3840 : index
    %get3A_202 = vector.load %arg3[%get3A_199, %get3A_200, %get3A_201] : memref<1x3x9472xbf16, #tpu.memory_space<vmem>>, vector<1x3x256xbf16>
    %get3A_203 = vector.shape_cast %get3A_202 : vector<1x3x256xbf16> to vector<3x256xbf16>
    %dot_general3A_204 = arith.constant dense<0.000000e+00> : vector<512x256xf32>
    %dot_general3A_205 = tpu.matmul %get3A_5, %get3A_203, %dot_general3A_204 {dimension_numbers = #tpu.dot_dimension_numbers<[1], [0], [0], [1], [0, 0, 1, 1], [], []>, transpose_lhs_hint = false} : vector<512x3xbf16>, vector<3x256xbf16>, vector<512x256xf32> -> vector<512x256xf32>
    %get3A_206 = arith.constant 0 : index
    %get3A_207 = arith.constant 3840 : index
    %get3A_208 = vector.load %arg7[%get3A_206, %get3A_207] : memref<1x9472xf32, #tpu.memory_space<vmem>>, vector<1x256xf32>
    %add3A_209 = vector.broadcast %get3A_208 : vector<1x256xf32> to vector<512x256xf32>
    %add3A_210 = arith.addf %dot_general3A_205, %add3A_209 : vector<512x256xf32>
    %min3A_211 = arith.minimumf %min3A_198, %add3A_210 : vector<512x256xf32>
    %get3A_212 = arith.constant 0 : index
    %get3A_213 = arith.constant 0 : index
    %get3A_214 = arith.constant 4096 : index
    %get3A_215 = vector.load %arg3[%get3A_212, %get3A_213, %get3A_214] : memref<1x3x9472xbf16, #tpu.memory_space<vmem>>, vector<1x3x256xbf16>
    %get3A_216 = vector.shape_cast %get3A_215 : vector<1x3x256xbf16> to vector<3x256xbf16>
    %dot_general3A_217 = arith.constant dense<0.000000e+00> : vector<512x256xf32>
    %dot_general3A_218 = tpu.matmul %get3A_5, %get3A_216, %dot_general3A_217 {dimension_numbers = #tpu.dot_dimension_numbers<[1], [0], [0], [1], [0, 0, 1, 1], [], []>, transpose_lhs_hint = false} : vector<512x3xbf16>, vector<3x256xbf16>, vector<512x256xf32> -> vector<512x256xf32>
    %get3A_219 = arith.constant 0 : index
    %get3A_220 = arith.constant 4096 : index
    %get3A_221 = vector.load %arg7[%get3A_219, %get3A_220] : memref<1x9472xf32, #tpu.memory_space<vmem>>, vector<1x256xf32>
    %add3A_222 = vector.broadcast %get3A_221 : vector<1x256xf32> to vector<512x256xf32>
    %add3A_223 = arith.addf %dot_general3A_218, %add3A_222 : vector<512x256xf32>
    %min3A_224 = arith.minimumf %min3A_211, %add3A_223 : vector<512x256xf32>
    %get3A_225 = arith.constant 0 : index
    %get3A_226 = arith.constant 0 : index
    %get3A_227 = arith.constant 4352 : index
    %get3A_228 = vector.load %arg3[%get3A_225, %get3A_226, %get3A_227] : memref<1x3x9472xbf16, #tpu.memory_space<vmem>>, vector<1x3x256xbf16>
    %get3A_229 = vector.shape_cast %get3A_228 : vector<1x3x256xbf16> to vector<3x256xbf16>
    %dot_general3A_230 = arith.constant dense<0.000000e+00> : vector<512x256xf32>
    %dot_general3A_231 = tpu.matmul %get3A_5, %get3A_229, %dot_general3A_230 {dimension_numbers = #tpu.dot_dimension_numbers<[1], [0], [0], [1], [0, 0, 1, 1], [], []>, transpose_lhs_hint = false} : vector<512x3xbf16>, vector<3x256xbf16>, vector<512x256xf32> -> vector<512x256xf32>
    %get3A_232 = arith.constant 0 : index
    %get3A_233 = arith.constant 4352 : index
    %get3A_234 = vector.load %arg7[%get3A_232, %get3A_233] : memref<1x9472xf32, #tpu.memory_space<vmem>>, vector<1x256xf32>
    %add3A_235 = vector.broadcast %get3A_234 : vector<1x256xf32> to vector<512x256xf32>
    %add3A_236 = arith.addf %dot_general3A_231, %add3A_235 : vector<512x256xf32>
    %min3A_237 = arith.minimumf %min3A_224, %add3A_236 : vector<512x256xf32>
    %get3A_238 = arith.constant 0 : index
    %get3A_239 = arith.constant 0 : index
    %get3A_240 = arith.constant 4608 : index
    %get3A_241 = vector.load %arg3[%get3A_238, %get3A_239, %get3A_240] : memref<1x3x9472xbf16, #tpu.memory_space<vmem>>, vector<1x3x256xbf16>
    %get3A_242 = vector.shape_cast %get3A_241 : vector<1x3x256xbf16> to vector<3x256xbf16>
    %dot_general3A_243 = arith.constant dense<0.000000e+00> : vector<512x256xf32>
    %dot_general3A_244 = tpu.matmul %get3A_5, %get3A_242, %dot_general3A_243 {dimension_numbers = #tpu.dot_dimension_numbers<[1], [0], [0], [1], [0, 0, 1, 1], [], []>, transpose_lhs_hint = false} : vector<512x3xbf16>, vector<3x256xbf16>, vector<512x256xf32> -> vector<512x256xf32>
    %get3A_245 = arith.constant 0 : index
    %get3A_246 = arith.constant 4608 : index
    %get3A_247 = vector.load %arg7[%get3A_245, %get3A_246] : memref<1x9472xf32, #tpu.memory_space<vmem>>, vector<1x256xf32>
    %add3A_248 = vector.broadcast %get3A_247 : vector<1x256xf32> to vector<512x256xf32>
    %add3A_249 = arith.addf %dot_general3A_244, %add3A_248 : vector<512x256xf32>
    %min3A_250 = arith.minimumf %min3A_237, %add3A_249 : vector<512x256xf32>
    %get3A_251 = arith.constant 0 : index
    %get3A_252 = arith.constant 0 : index
    %get3A_253 = arith.constant 4864 : index
    %get3A_254 = vector.load %arg3[%get3A_251, %get3A_252, %get3A_253] : memref<1x3x9472xbf16, #tpu.memory_space<vmem>>, vector<1x3x256xbf16>
    %get3A_255 = vector.shape_cast %get3A_254 : vector<1x3x256xbf16> to vector<3x256xbf16>
    %dot_general3A_256 = arith.constant dense<0.000000e+00> : vector<512x256xf32>
    %dot_general3A_257 = tpu.matmul %get3A_5, %get3A_255, %dot_general3A_256 {dimension_numbers = #tpu.dot_dimension_numbers<[1], [0], [0], [1], [0, 0, 1, 1], [], []>, transpose_lhs_hint = false} : vector<512x3xbf16>, vector<3x256xbf16>, vector<512x256xf32> -> vector<512x256xf32>
    %get3A_258 = arith.constant 0 : index
    %get3A_259 = arith.constant 4864 : index
    %get3A_260 = vector.load %arg7[%get3A_258, %get3A_259] : memref<1x9472xf32, #tpu.memory_space<vmem>>, vector<1x256xf32>
    %add3A_261 = vector.broadcast %get3A_260 : vector<1x256xf32> to vector<512x256xf32>
    %add3A_262 = arith.addf %dot_general3A_257, %add3A_261 : vector<512x256xf32>
    %min3A_263 = arith.minimumf %min3A_250, %add3A_262 : vector<512x256xf32>
    %get3A_264 = arith.constant 0 : index
    %get3A_265 = arith.constant 0 : index
    %get3A_266 = arith.constant 5120 : index
    %get3A_267 = vector.load %arg3[%get3A_264, %get3A_265, %get3A_266] : memref<1x3x9472xbf16, #tpu.memory_space<vmem>>, vector<1x3x256xbf16>
    %get3A_268 = vector.shape_cast %get3A_267 : vector<1x3x256xbf16> to vector<3x256xbf16>
    %dot_general3A_269 = arith.constant dense<0.000000e+00> : vector<512x256xf32>
    %dot_general3A_270 = tpu.matmul %get3A_5, %get3A_268, %dot_general3A_269 {dimension_numbers = #tpu.dot_dimension_numbers<[1], [0], [0], [1], [0, 0, 1, 1], [], []>, transpose_lhs_hint = false} : vector<512x3xbf16>, vector<3x256xbf16>, vector<512x256xf32> -> vector<512x256xf32>
    %get3A_271 = arith.constant 0 : index
    %get3A_272 = arith.constant 5120 : index
    %get3A_273 = vector.load %arg7[%get3A_271, %get3A_272] : memref<1x9472xf32, #tpu.memory_space<vmem>>, vector<1x256xf32>
    %add3A_274 = vector.broadcast %get3A_273 : vector<1x256xf32> to vector<512x256xf32>
    %add3A_275 = arith.addf %dot_general3A_270, %add3A_274 : vector<512x256xf32>
    %min3A_276 = arith.minimumf %min3A_263, %add3A_275 : vector<512x256xf32>
    %get3A_277 = arith.constant 0 : index
    %get3A_278 = arith.constant 0 : index
    %get3A_279 = arith.constant 5376 : index
    %get3A_280 = vector.load %arg3[%get3A_277, %get3A_278, %get3A_279] : memref<1x3x9472xbf16, #tpu.memory_space<vmem>>, vector<1x3x256xbf16>
    %get3A_281 = vector.shape_cast %get3A_280 : vector<1x3x256xbf16> to vector<3x256xbf16>
    %dot_general3A_282 = arith.constant dense<0.000000e+00> : vector<512x256xf32>
    %dot_general3A_283 = tpu.matmul %get3A_5, %get3A_281, %dot_general3A_282 {dimension_numbers = #tpu.dot_dimension_numbers<[1], [0], [0], [1], [0, 0, 1, 1], [], []>, transpose_lhs_hint = false} : vector<512x3xbf16>, vector<3x256xbf16>, vector<512x256xf32> -> vector<512x256xf32>
    %get3A_284 = arith.constant 0 : index
    %get3A_285 = arith.constant 5376 : index
    %get3A_286 = vector.load %arg7[%get3A_284, %get3A_285] : memref<1x9472xf32, #tpu.memory_space<vmem>>, vector<1x256xf32>
    %add3A_287 = vector.broadcast %get3A_286 : vector<1x256xf32> to vector<512x256xf32>
    %add3A_288 = arith.addf %dot_general3A_283, %add3A_287 : vector<512x256xf32>
    %min3A_289 = arith.minimumf %min3A_276, %add3A_288 : vector<512x256xf32>
    %get3A_290 = arith.constant 0 : index
    %get3A_291 = arith.constant 0 : index
    %get3A_292 = arith.constant 5632 : index
    %get3A_293 = vector.load %arg3[%get3A_290, %get3A_291, %get3A_292] : memref<1x3x9472xbf16, #tpu.memory_space<vmem>>, vector<1x3x256xbf16>
    %get3A_294 = vector.shape_cast %get3A_293 : vector<1x3x256xbf16> to vector<3x256xbf16>
    %dot_general3A_295 = arith.constant dense<0.000000e+00> : vector<512x256xf32>
    %dot_general3A_296 = tpu.matmul %get3A_5, %get3A_294, %dot_general3A_295 {dimension_numbers = #tpu.dot_dimension_numbers<[1], [0], [0], [1], [0, 0, 1, 1], [], []>, transpose_lhs_hint = false} : vector<512x3xbf16>, vector<3x256xbf16>, vector<512x256xf32> -> vector<512x256xf32>
    %get3A_297 = arith.constant 0 : index
    %get3A_298 = arith.constant 5632 : index
    %get3A_299 = vector.load %arg7[%get3A_297, %get3A_298] : memref<1x9472xf32, #tpu.memory_space<vmem>>, vector<1x256xf32>
    %add3A_300 = vector.broadcast %get3A_299 : vector<1x256xf32> to vector<512x256xf32>
    %add3A_301 = arith.addf %dot_general3A_296, %add3A_300 : vector<512x256xf32>
    %min3A_302 = arith.minimumf %min3A_289, %add3A_301 : vector<512x256xf32>
    %get3A_303 = arith.constant 0 : index
    %get3A_304 = arith.constant 0 : index
    %get3A_305 = arith.constant 5888 : index
    %get3A_306 = vector.load %arg3[%get3A_303, %get3A_304, %get3A_305] : memref<1x3x9472xbf16, #tpu.memory_space<vmem>>, vector<1x3x256xbf16>
    %get3A_307 = vector.shape_cast %get3A_306 : vector<1x3x256xbf16> to vector<3x256xbf16>
    %dot_general3A_308 = arith.constant dense<0.000000e+00> : vector<512x256xf32>
    %dot_general3A_309 = tpu.matmul %get3A_5, %get3A_307, %dot_general3A_308 {dimension_numbers = #tpu.dot_dimension_numbers<[1], [0], [0], [1], [0, 0, 1, 1], [], []>, transpose_lhs_hint = false} : vector<512x3xbf16>, vector<3x256xbf16>, vector<512x256xf32> -> vector<512x256xf32>
    %get3A_310 = arith.constant 0 : index
    %get3A_311 = arith.constant 5888 : index
    %get3A_312 = vector.load %arg7[%get3A_310, %get3A_311] : memref<1x9472xf32, #tpu.memory_space<vmem>>, vector<1x256xf32>
    %add3A_313 = vector.broadcast %get3A_312 : vector<1x256xf32> to vector<512x256xf32>
    %add3A_314 = arith.addf %dot_general3A_309, %add3A_313 : vector<512x256xf32>
    %min3A_315 = arith.minimumf %min3A_302, %add3A_314 : vector<512x256xf32>
    %get3A_316 = arith.constant 0 : index
    %get3A_317 = arith.constant 0 : index
    %get3A_318 = arith.constant 6144 : index
    %get3A_319 = vector.load %arg3[%get3A_316, %get3A_317, %get3A_318] : memref<1x3x9472xbf16, #tpu.memory_space<vmem>>, vector<1x3x256xbf16>
    %get3A_320 = vector.shape_cast %get3A_319 : vector<1x3x256xbf16> to vector<3x256xbf16>
    %dot_general3A_321 = arith.constant dense<0.000000e+00> : vector<512x256xf32>
    %dot_general3A_322 = tpu.matmul %get3A_5, %get3A_320, %dot_general3A_321 {dimension_numbers = #tpu.dot_dimension_numbers<[1], [0], [0], [1], [0, 0, 1, 1], [], []>, transpose_lhs_hint = false} : vector<512x3xbf16>, vector<3x256xbf16>, vector<512x256xf32> -> vector<512x256xf32>
    %get3A_323 = arith.constant 0 : index
    %get3A_324 = arith.constant 6144 : index
    %get3A_325 = vector.load %arg7[%get3A_323, %get3A_324] : memref<1x9472xf32, #tpu.memory_space<vmem>>, vector<1x256xf32>
    %add3A_326 = vector.broadcast %get3A_325 : vector<1x256xf32> to vector<512x256xf32>
    %add3A_327 = arith.addf %dot_general3A_322, %add3A_326 : vector<512x256xf32>
    %min3A_328 = arith.minimumf %min3A_315, %add3A_327 : vector<512x256xf32>
    %get3A_329 = arith.constant 0 : index
    %get3A_330 = arith.constant 0 : index
    %get3A_331 = arith.constant 6400 : index
    %get3A_332 = vector.load %arg3[%get3A_329, %get3A_330, %get3A_331] : memref<1x3x9472xbf16, #tpu.memory_space<vmem>>, vector<1x3x256xbf16>
    %get3A_333 = vector.shape_cast %get3A_332 : vector<1x3x256xbf16> to vector<3x256xbf16>
    %dot_general3A_334 = arith.constant dense<0.000000e+00> : vector<512x256xf32>
    %dot_general3A_335 = tpu.matmul %get3A_5, %get3A_333, %dot_general3A_334 {dimension_numbers = #tpu.dot_dimension_numbers<[1], [0], [0], [1], [0, 0, 1, 1], [], []>, transpose_lhs_hint = false} : vector<512x3xbf16>, vector<3x256xbf16>, vector<512x256xf32> -> vector<512x256xf32>
    %get3A_336 = arith.constant 0 : index
    %get3A_337 = arith.constant 6400 : index
    %get3A_338 = vector.load %arg7[%get3A_336, %get3A_337] : memref<1x9472xf32, #tpu.memory_space<vmem>>, vector<1x256xf32>
    %add3A_339 = vector.broadcast %get3A_338 : vector<1x256xf32> to vector<512x256xf32>
    %add3A_340 = arith.addf %dot_general3A_335, %add3A_339 : vector<512x256xf32>
    %min3A_341 = arith.minimumf %min3A_328, %add3A_340 : vector<512x256xf32>
    %get3A_342 = arith.constant 0 : index
    %get3A_343 = arith.constant 0 : index
    %get3A_344 = arith.constant 6656 : index
    %get3A_345 = vector.load %arg3[%get3A_342, %get3A_343, %get3A_344] : memref<1x3x9472xbf16, #tpu.memory_space<vmem>>, vector<1x3x256xbf16>
    %get3A_346 = vector.shape_cast %get3A_345 : vector<1x3x256xbf16> to vector<3x256xbf16>
    %dot_general3A_347 = arith.constant dense<0.000000e+00> : vector<512x256xf32>
    %dot_general3A_348 = tpu.matmul %get3A_5, %get3A_346, %dot_general3A_347 {dimension_numbers = #tpu.dot_dimension_numbers<[1], [0], [0], [1], [0, 0, 1, 1], [], []>, transpose_lhs_hint = false} : vector<512x3xbf16>, vector<3x256xbf16>, vector<512x256xf32> -> vector<512x256xf32>
    %get3A_349 = arith.constant 0 : index
    %get3A_350 = arith.constant 6656 : index
    %get3A_351 = vector.load %arg7[%get3A_349, %get3A_350] : memref<1x9472xf32, #tpu.memory_space<vmem>>, vector<1x256xf32>
    %add3A_352 = vector.broadcast %get3A_351 : vector<1x256xf32> to vector<512x256xf32>
    %add3A_353 = arith.addf %dot_general3A_348, %add3A_352 : vector<512x256xf32>
    %min3A_354 = arith.minimumf %min3A_341, %add3A_353 : vector<512x256xf32>
    %get3A_355 = arith.constant 0 : index
    %get3A_356 = arith.constant 0 : index
    %get3A_357 = arith.constant 6912 : index
    %get3A_358 = vector.load %arg3[%get3A_355, %get3A_356, %get3A_357] : memref<1x3x9472xbf16, #tpu.memory_space<vmem>>, vector<1x3x256xbf16>
    %get3A_359 = vector.shape_cast %get3A_358 : vector<1x3x256xbf16> to vector<3x256xbf16>
    %dot_general3A_360 = arith.constant dense<0.000000e+00> : vector<512x256xf32>
    %dot_general3A_361 = tpu.matmul %get3A_5, %get3A_359, %dot_general3A_360 {dimension_numbers = #tpu.dot_dimension_numbers<[1], [0], [0], [1], [0, 0, 1, 1], [], []>, transpose_lhs_hint = false} : vector<512x3xbf16>, vector<3x256xbf16>, vector<512x256xf32> -> vector<512x256xf32>
    %get3A_362 = arith.constant 0 : index
    %get3A_363 = arith.constant 6912 : index
    %get3A_364 = vector.load %arg7[%get3A_362, %get3A_363] : memref<1x9472xf32, #tpu.memory_space<vmem>>, vector<1x256xf32>
    %add3A_365 = vector.broadcast %get3A_364 : vector<1x256xf32> to vector<512x256xf32>
    %add3A_366 = arith.addf %dot_general3A_361, %add3A_365 : vector<512x256xf32>
    %min3A_367 = arith.minimumf %min3A_354, %add3A_366 : vector<512x256xf32>
    %get3A_368 = arith.constant 0 : index
    %get3A_369 = arith.constant 0 : index
    %get3A_370 = arith.constant 7168 : index
    %get3A_371 = vector.load %arg3[%get3A_368, %get3A_369, %get3A_370] : memref<1x3x9472xbf16, #tpu.memory_space<vmem>>, vector<1x3x256xbf16>
    %get3A_372 = vector.shape_cast %get3A_371 : vector<1x3x256xbf16> to vector<3x256xbf16>
    %dot_general3A_373 = arith.constant dense<0.000000e+00> : vector<512x256xf32>
    %dot_general3A_374 = tpu.matmul %get3A_5, %get3A_372, %dot_general3A_373 {dimension_numbers = #tpu.dot_dimension_numbers<[1], [0], [0], [1], [0, 0, 1, 1], [], []>, transpose_lhs_hint = false} : vector<512x3xbf16>, vector<3x256xbf16>, vector<512x256xf32> -> vector<512x256xf32>
    %get3A_375 = arith.constant 0 : index
    %get3A_376 = arith.constant 7168 : index
    %get3A_377 = vector.load %arg7[%get3A_375, %get3A_376] : memref<1x9472xf32, #tpu.memory_space<vmem>>, vector<1x256xf32>
    %add3A_378 = vector.broadcast %get3A_377 : vector<1x256xf32> to vector<512x256xf32>
    %add3A_379 = arith.addf %dot_general3A_374, %add3A_378 : vector<512x256xf32>
    %min3A_380 = arith.minimumf %min3A_367, %add3A_379 : vector<512x256xf32>
    %get3A_381 = arith.constant 0 : index
    %get3A_382 = arith.constant 0 : index
    %get3A_383 = arith.constant 7424 : index
    %get3A_384 = vector.load %arg3[%get3A_381, %get3A_382, %get3A_383] : memref<1x3x9472xbf16, #tpu.memory_space<vmem>>, vector<1x3x256xbf16>
    %get3A_385 = vector.shape_cast %get3A_384 : vector<1x3x256xbf16> to vector<3x256xbf16>
    %dot_general3A_386 = arith.constant dense<0.000000e+00> : vector<512x256xf32>
    %dot_general3A_387 = tpu.matmul %get3A_5, %get3A_385, %dot_general3A_386 {dimension_numbers = #tpu.dot_dimension_numbers<[1], [0], [0], [1], [0, 0, 1, 1], [], []>, transpose_lhs_hint = false} : vector<512x3xbf16>, vector<3x256xbf16>, vector<512x256xf32> -> vector<512x256xf32>
    %get3A_388 = arith.constant 0 : index
    %get3A_389 = arith.constant 7424 : index
    %get3A_390 = vector.load %arg7[%get3A_388, %get3A_389] : memref<1x9472xf32, #tpu.memory_space<vmem>>, vector<1x256xf32>
    %add3A_391 = vector.broadcast %get3A_390 : vector<1x256xf32> to vector<512x256xf32>
    %add3A_392 = arith.addf %dot_general3A_387, %add3A_391 : vector<512x256xf32>
    %min3A_393 = arith.minimumf %min3A_380, %add3A_392 : vector<512x256xf32>
    %get3A_394 = arith.constant 0 : index
    %get3A_395 = arith.constant 0 : index
    %get3A_396 = arith.constant 7680 : index
    %get3A_397 = vector.load %arg3[%get3A_394, %get3A_395, %get3A_396] : memref<1x3x9472xbf16, #tpu.memory_space<vmem>>, vector<1x3x256xbf16>
    %get3A_398 = vector.shape_cast %get3A_397 : vector<1x3x256xbf16> to vector<3x256xbf16>
    %dot_general3A_399 = arith.constant dense<0.000000e+00> : vector<512x256xf32>
    %dot_general3A_400 = tpu.matmul %get3A_5, %get3A_398, %dot_general3A_399 {dimension_numbers = #tpu.dot_dimension_numbers<[1], [0], [0], [1], [0, 0, 1, 1], [], []>, transpose_lhs_hint = false} : vector<512x3xbf16>, vector<3x256xbf16>, vector<512x256xf32> -> vector<512x256xf32>
    %get3A_401 = arith.constant 0 : index
    %get3A_402 = arith.constant 7680 : index
    %get3A_403 = vector.load %arg7[%get3A_401, %get3A_402] : memref<1x9472xf32, #tpu.memory_space<vmem>>, vector<1x256xf32>
    %add3A_404 = vector.broadcast %get3A_403 : vector<1x256xf32> to vector<512x256xf32>
    %add3A_405 = arith.addf %dot_general3A_400, %add3A_404 : vector<512x256xf32>
    %min3A_406 = arith.minimumf %min3A_393, %add3A_405 : vector<512x256xf32>
    %get3A_407 = arith.constant 0 : index
    %get3A_408 = arith.constant 0 : index
    %get3A_409 = arith.constant 7936 : index
    %get3A_410 = vector.load %arg3[%get3A_407, %get3A_408, %get3A_409] : memref<1x3x9472xbf16, #tpu.memory_space<vmem>>, vector<1x3x256xbf16>
    %get3A_411 = vector.shape_cast %get3A_410 : vector<1x3x256xbf16> to vector<3x256xbf16>
    %dot_general3A_412 = arith.constant dense<0.000000e+00> : vector<512x256xf32>
    %dot_general3A_413 = tpu.matmul %get3A_5, %get3A_411, %dot_general3A_412 {dimension_numbers = #tpu.dot_dimension_numbers<[1], [0], [0], [1], [0, 0, 1, 1], [], []>, transpose_lhs_hint = false} : vector<512x3xbf16>, vector<3x256xbf16>, vector<512x256xf32> -> vector<512x256xf32>
    %get3A_414 = arith.constant 0 : index
    %get3A_415 = arith.constant 7936 : index
    %get3A_416 = vector.load %arg7[%get3A_414, %get3A_415] : memref<1x9472xf32, #tpu.memory_space<vmem>>, vector<1x256xf32>
    %add3A_417 = vector.broadcast %get3A_416 : vector<1x256xf32> to vector<512x256xf32>
    %add3A_418 = arith.addf %dot_general3A_413, %add3A_417 : vector<512x256xf32>
    %min3A_419 = arith.minimumf %min3A_406, %add3A_418 : vector<512x256xf32>
    %get3A_420 = arith.constant 0 : index
    %get3A_421 = arith.constant 0 : index
    %get3A_422 = arith.constant 8192 : index
    %get3A_423 = vector.load %arg3[%get3A_420, %get3A_421, %get3A_422] : memref<1x3x9472xbf16, #tpu.memory_space<vmem>>, vector<1x3x256xbf16>
    %get3A_424 = vector.shape_cast %get3A_423 : vector<1x3x256xbf16> to vector<3x256xbf16>
    %dot_general3A_425 = arith.constant dense<0.000000e+00> : vector<512x256xf32>
    %dot_general3A_426 = tpu.matmul %get3A_5, %get3A_424, %dot_general3A_425 {dimension_numbers = #tpu.dot_dimension_numbers<[1], [0], [0], [1], [0, 0, 1, 1], [], []>, transpose_lhs_hint = false} : vector<512x3xbf16>, vector<3x256xbf16>, vector<512x256xf32> -> vector<512x256xf32>
    %get3A_427 = arith.constant 0 : index
    %get3A_428 = arith.constant 8192 : index
    %get3A_429 = vector.load %arg7[%get3A_427, %get3A_428] : memref<1x9472xf32, #tpu.memory_space<vmem>>, vector<1x256xf32>
    %add3A_430 = vector.broadcast %get3A_429 : vector<1x256xf32> to vector<512x256xf32>
    %add3A_431 = arith.addf %dot_general3A_426, %add3A_430 : vector<512x256xf32>
    %min3A_432 = arith.minimumf %min3A_419, %add3A_431 : vector<512x256xf32>
    %get3A_433 = arith.constant 0 : index
    %get3A_434 = arith.constant 0 : index
    %get3A_435 = arith.constant 8448 : index
    %get3A_436 = vector.load %arg3[%get3A_433, %get3A_434, %get3A_435] : memref<1x3x9472xbf16, #tpu.memory_space<vmem>>, vector<1x3x256xbf16>
    %get3A_437 = vector.shape_cast %get3A_436 : vector<1x3x256xbf16> to vector<3x256xbf16>
    %dot_general3A_438 = arith.constant dense<0.000000e+00> : vector<512x256xf32>
    %dot_general3A_439 = tpu.matmul %get3A_5, %get3A_437, %dot_general3A_438 {dimension_numbers = #tpu.dot_dimension_numbers<[1], [0], [0], [1], [0, 0, 1, 1], [], []>, transpose_lhs_hint = false} : vector<512x3xbf16>, vector<3x256xbf16>, vector<512x256xf32> -> vector<512x256xf32>
    %get3A_440 = arith.constant 0 : index
    %get3A_441 = arith.constant 8448 : index
    %get3A_442 = vector.load %arg7[%get3A_440, %get3A_441] : memref<1x9472xf32, #tpu.memory_space<vmem>>, vector<1x256xf32>
    %add3A_443 = vector.broadcast %get3A_442 : vector<1x256xf32> to vector<512x256xf32>
    %add3A_444 = arith.addf %dot_general3A_439, %add3A_443 : vector<512x256xf32>
    %min3A_445 = arith.minimumf %min3A_432, %add3A_444 : vector<512x256xf32>
    %get3A_446 = arith.constant 0 : index
    %get3A_447 = arith.constant 0 : index
    %get3A_448 = arith.constant 8704 : index
    %get3A_449 = vector.load %arg3[%get3A_446, %get3A_447, %get3A_448] : memref<1x3x9472xbf16, #tpu.memory_space<vmem>>, vector<1x3x256xbf16>
    %get3A_450 = vector.shape_cast %get3A_449 : vector<1x3x256xbf16> to vector<3x256xbf16>
    %dot_general3A_451 = arith.constant dense<0.000000e+00> : vector<512x256xf32>
    %dot_general3A_452 = tpu.matmul %get3A_5, %get3A_450, %dot_general3A_451 {dimension_numbers = #tpu.dot_dimension_numbers<[1], [0], [0], [1], [0, 0, 1, 1], [], []>, transpose_lhs_hint = false} : vector<512x3xbf16>, vector<3x256xbf16>, vector<512x256xf32> -> vector<512x256xf32>
    %get3A_453 = arith.constant 0 : index
    %get3A_454 = arith.constant 8704 : index
    %get3A_455 = vector.load %arg7[%get3A_453, %get3A_454] : memref<1x9472xf32, #tpu.memory_space<vmem>>, vector<1x256xf32>
    %add3A_456 = vector.broadcast %get3A_455 : vector<1x256xf32> to vector<512x256xf32>
    %add3A_457 = arith.addf %dot_general3A_452, %add3A_456 : vector<512x256xf32>
    %min3A_458 = arith.minimumf %min3A_445, %add3A_457 : vector<512x256xf32>
    %get3A_459 = arith.constant 0 : index
    %get3A_460 = arith.constant 0 : index
    %get3A_461 = arith.constant 8960 : index
    %get3A_462 = vector.load %arg3[%get3A_459, %get3A_460, %get3A_461] : memref<1x3x9472xbf16, #tpu.memory_space<vmem>>, vector<1x3x256xbf16>
    %get3A_463 = vector.shape_cast %get3A_462 : vector<1x3x256xbf16> to vector<3x256xbf16>
    %dot_general3A_464 = arith.constant dense<0.000000e+00> : vector<512x256xf32>
    %dot_general3A_465 = tpu.matmul %get3A_5, %get3A_463, %dot_general3A_464 {dimension_numbers = #tpu.dot_dimension_numbers<[1], [0], [0], [1], [0, 0, 1, 1], [], []>, transpose_lhs_hint = false} : vector<512x3xbf16>, vector<3x256xbf16>, vector<512x256xf32> -> vector<512x256xf32>
    %get3A_466 = arith.constant 0 : index
    %get3A_467 = arith.constant 8960 : index
    %get3A_468 = vector.load %arg7[%get3A_466, %get3A_467] : memref<1x9472xf32, #tpu.memory_space<vmem>>, vector<1x256xf32>
    %add3A_469 = vector.broadcast %get3A_468 : vector<1x256xf32> to vector<512x256xf32>
    %add3A_470 = arith.addf %dot_general3A_465, %add3A_469 : vector<512x256xf32>
    %min3A_471 = arith.minimumf %min3A_458, %add3A_470 : vector<512x256xf32>
    %get3A_472 = arith.constant 0 : index
    %get3A_473 = arith.constant 0 : index
    %get3A_474 = arith.constant 9216 : index
    %get3A_475 = vector.load %arg3[%get3A_472, %get3A_473, %get3A_474] : memref<1x3x9472xbf16, #tpu.memory_space<vmem>>, vector<1x3x256xbf16>
    %get3A_476 = vector.shape_cast %get3A_475 : vector<1x3x256xbf16> to vector<3x256xbf16>
    %dot_general3A_477 = arith.constant dense<0.000000e+00> : vector<512x256xf32>
    %dot_general3A_478 = tpu.matmul %get3A_5, %get3A_476, %dot_general3A_477 {dimension_numbers = #tpu.dot_dimension_numbers<[1], [0], [0], [1], [0, 0, 1, 1], [], []>, transpose_lhs_hint = false} : vector<512x3xbf16>, vector<3x256xbf16>, vector<512x256xf32> -> vector<512x256xf32>
    %get3A_479 = arith.constant 0 : index
    %get3A_480 = arith.constant 9216 : index
    %get3A_481 = vector.load %arg7[%get3A_479, %get3A_480] : memref<1x9472xf32, #tpu.memory_space<vmem>>, vector<1x256xf32>
    %add3A_482 = vector.broadcast %get3A_481 : vector<1x256xf32> to vector<512x256xf32>
    %add3A_483 = arith.addf %dot_general3A_478, %add3A_482 : vector<512x256xf32>
    %min3A_484 = arith.minimumf %min3A_471, %add3A_483 : vector<512x256xf32>
    %reduce_min3A = arith.constant dense<0x7F800000> : vector<512xf32>
    %reduce_min3A_485 = vector.multi_reduction <minimumf>, %min3A_484, %reduce_min3A [1] : vector<512x256xf32> to vector<512xf32>
    %get3A_486 = arith.constant 0 : index
    %get3A_487 = arith.constant 0 : index
    %get3A_488 = arith.constant 0 : index
    %get3A_489 = vector.load %arg5[%get3A_486, %get3A_487, %get3A_488] : memref<1x3x512xf32, #tpu.memory_space<vmem>>, vector<1x3x512xf32>
    %get3A_490 = vector.shape_cast %get3A_489 : vector<1x3x512xf32> to vector<3x512xf32>
    %mul3A = arith.mulf %get3A_490, %get3A_490 : vector<3x512xf32>
    %reduce_sum3A = arith.constant dense<0.000000e+00> : vector<512xf32>
    %reduce_sum3A_491 = vector.multi_reduction <add>, %mul3A, %reduce_sum3A [0] : vector<3x512xf32> to vector<512xf32>
    %add3A_492 = arith.addf %reduce_min3A_485, %reduce_sum3A_491 : vector<512xf32>
    %swap3A = arith.constant 0 : index
    %swap3A_493 = arith.constant 0 : index
    %swap3A_494 = arith.constant 0 : index
    %swap3A_495 = vector.load %arg6[%swap3A, %swap3A_493, %swap3A_494] : memref<1x1x512xf32, #tpu.memory_space<vmem>>, vector<1x1x512xf32>
    %swap3A_496 = vector.shape_cast %swap3A_495 : vector<1x1x512xf32> to vector<512xf32>
    %swap3A_497 = vector.shape_cast %add3A_492 : vector<512xf32> to vector<1x1x512xf32>
    tpu.vector_store %arg6[%swap3A, %swap3A_493, %swap3A_494], %swap3A_497 {strides = array<i32>} : memref<1x1x512xf32, #tpu.memory_space<vmem>>, vector<1x1x512xf32>,
    return
  }
  func.func @transform_0(%arg0: i32, %arg1: i32) -> (i32, i32, i32) {
    %c0_i32 = arith.constant 0 : i32
    %c0_i32_0 = arith.constant 0 : i32
    %c0_i32_1 = arith.constant 0 : i32
    return %arg0, %c0_i32, %c0_i32_0 : i32, i32, i32
  }
  func.func @transform_1(%arg0: i32, %arg1: i32) -> (i32, i32, i32) {
    %c0_i32 = arith.constant 0 : i32
    %c0_i32_0 = arith.constant 0 : i32
    %c0_i32_1 = arith.constant 0 : i32
    return %arg0, %c0_i32, %c0_i32_0 : i32, i32, i32
  }
  func.func @transform_2(%arg0: i32, %arg1: i32) -> (i32, i32, i32) {
    %c0_i32 = arith.constant 0 : i32
    %c0_i32_0 = arith.constant 0 : i32
    return %arg0, %arg1, %c0_i32 : i32, i32, i32
  }
  func.func @transform_3(%arg0: i32, %arg1: i32) -> (i32, i32, i32) {
    %c0_i32 = arith.constant 0 : i32
    %c0_i32_0 = arith.constant 0 : i32
    return %arg0, %c0_i32, %arg1 : i32, i32, i32
  }
  func.func @transform_4(%arg0: i32, %arg1: i32) -> (i32, i32, i32) {
    %mul3A = arith.constant 7 : i32
    %mul3A_0 = arith.muli %arg0, %mul3A : i32
    %add3A = arith.addi %mul3A_0, %arg1 : i32
    %c0_i32 = arith.constant 0 : i32
    %c0_i32_1 = arith.constant 0 : i32
    %c0_i32_2 = arith.constant 0 : i32
    return %add3A, %c0_i32, %c0_i32_1 : i32, i32, i32
  }
}

</mosaic_0001>

<sc_bundles>
// kernel: kernel.5.cloned.1.call-start
scs
__scs_entry_jumppad:
0x0: {  	(pc) =	sbr.rel $0x88, $3  }
0x1: {  	(tag) =	ssettag $0x0;
	lr =	simm.s32 $0x1  }
0x2: {  	[smem:$0x3F9F] =	sst lr;
	_ =	strace $0xD0000000  }
0x3: {  	_ = 	snop  }
0x4: {  	_ = 	snop  }
0x5: {  	_ = 	snop  }
0x6: {  	_ = 	snop  }
0x7: {  	_ = 	snop  }
__scs_overlays_trampoline_lowered:
0x8: {  	[smem:$0x3FAE] =	sst s0  }
0x9: {  	[smem:$0x3FAF] =	sst s1  }
0xa: {  	[smem:$0x3FB0] =	sst s2  }
0xb: {  	[smem:$0x3FB1] =	sst s3  }
0xc: {  	[smem:$0x3FB2] =	sst s4  }
0xd: {  	[smem:$0x3FB3] =	sst s5  }
0xe: {  	[smem:$0x3FB4] =	sst s6  }
0xf: {  	[smem:$0x3FB5] =	sst s7  }
0x10: {  	[smem:$0x3FB6] =	sst s8  }
0x11: {  	[smem:$0x3FB7] =	sst s9;
	s0 =	simm.s32 @!p0 $0x0  }
0x12: {  	s1 =	sld [smem:$0x3F9D];
	s0 =	simm.s32 @p0 $0x1  }
0x13: {  	[smem:$0x3FB8] =	sst s0;
	s0 =	simm.s32 @!p1 $0x0  }
0x14: {  	s2 =	sld [smem:$0x3F9C];
	s0 =	simm.s32 @p1 $0x1  }
0x15: {  	[smem:$0x3FB9] =	sst s0;
	s0 =	simm.s32 @!p2 $0x0  }
0x16: {  	s3 =	sld [smem:$0x3FDB];
	s0 =	simm.s32 @p2 $0x1  }
0x17: {  	s4 =	simm.s32 $0x1BF5;
	[smem:$0x3FBB] =	sst s0  }
0x18: {  	s0 =	sld [smem:$0x3F9E];
	_ =	swait.ge [sflag:s4], $0x0  }
0x19: {  	s7 =	sld [smem:$0x3F9F]  }
0x1a: {  	s8 =	sadd.s32 $0xFFFFE003, lr  }
0x1b: {  	s9 =	sadd.s32 $0xFFFFFEF7, lr;
	s5 =	simm.s32 $0xFFFFFFFF;
	p2 =	slt.u32 s8, $0xFFFFF086  }
0x1c: {  	p1 =	slt.u32 s9, $0xF7A;
	s5 =	simm.s32 @!p2 $0x0  }
0x1d: {  	s5 =	simm.s32 @p1 $0x1;
	p0 =	seq.s32 s7, s2  }
0x1e: {  	s7 =	smul.u32 @!p0 $0xF7A, s2;
	p2 =	seq.s32 @!p0 s5, $0x0  }
0x1f: {  	s9 =	smul.u32 $0xF7A, s1;
	s8 =	simm.s32 @!p0 $0x1BF5;
	p2 =	por !p2, p0  }
0x20: {  	[sflag:s8] =	ssyncset.s32 @!p0 $0xFFFFF086;
	s6 =	sadd.s32 @!p0 s3, s7;
	s7 =	simm.s32 @!p0 $0x108  }
0x21: {  	s3 =	sadd.s32 s3, s9;
	s6 =	sadd.s32 @!p0 $0x88, s6;
	s7 =	simm.s32 @p2 $0x1082  }
0x22: {  	[simem:s7], [sflag:s8] =	dma.local @!p0 [hbm:s6], $0xF7A  }
0x23: {  	s9 =	sor.u32 $0xD0000000, s2;
	s6 =	simm.s32 $0x108;
	_ =	swait.ge @!p0 [sflag:s8], $0x0  }
0x24: {  	s3 =	sadd.s32 $0x88, s3;
	s6 =	simm.s32 @!p1 $0x1082;
	[sflag:s4] =	ssyncset.s32 $0xFFFFF086  }
0x25: {  	[simem:s6], [sflag:s4] =	dma.local [hbm:s3], $0xF7A  }
0x26: {  	[smem:$0x3F9F] =	sst s1;
	(tag) =	ssettag s2;
	_ =	strace s9  }
0x27: {  	s1 =	sld [smem:$0x3FAF]  }
0x28: {  	s2 =	sld [smem:$0x3FB0]  }
0x29: {  	s4 =	sld [smem:$0x3FB2]  }
0x2a: {  	p0 =	seq.s32 s5, $0x0;
	s5 =	sld [smem:$0x3FB3]  }
0x2b: {  	s6 =	sld [smem:$0x3FB4]  }
0x2c: {  	s7 =	sld [smem:$0x3FB5]  }
0x2d: {  	s3 =	simm.s32 $0x108;
	s8 =	sld [smem:$0x3FB6]  }
0x2e: {  	s3 =	simm.s32 @!p0 $0x1082;
	s9 =	sld [smem:$0x3FB7]  }
0x2f: {  	lr =	sadd.s32 s0, s3;
	s0 =	sld [smem:$0x3FAE]  }
0x30: {  	s3 =	sld [smem:$0x3FB1]  }
0x31: {  	[smem:$0x3FBA] =	sst s10  }
0x32: {  	s10 =	sld [smem:$0x3FB8];
	_ =	sdelay $0x3  }
0x33: {  	p0 =	seq.s32 s10, $0x1;
	s10 =	sld [smem:$0x3FBA];
	_ =	sdelay $0x3  }
0x34: {  	[smem:$0x3FBA] =	sst s10  }
0x35: {  	s10 =	sld [smem:$0x3FB9];
	_ =	sdelay $0x3  }
0x36: {  	p1 =	seq.s32 s10, $0x1;
	s10 =	sld [smem:$0x3FBA];
	_ =	sdelay $0x3  }
0x37: {  	[smem:$0x3FBA] =	sst s10  }
0x38: {  	s10 =	sld [smem:$0x3FBB]  }
0x39: {  	_ = 	snop;
	(pc) =	sbr.ind lr, $3  }
0x3a: {  	_ = 	snop  }
0x3b: {  	_ = 	snop  }
0x3c: {  	p2 =	seq.s32 s10, $0x1;
	s10 =	sld [smem:$0x3FBA]  }
0x3d: {  	_ =	shalt  }
0x3e: {  	_ =	shalt  }
0x3f: {  	_ =	shalt  }
0x40: {  	_ =	shalt  }
0x41: {  	_ =	shalt  }
0x42: {  	_ =	shalt  }
0x43: {  	_ =	shalt  }
0x44: {  	_ =	shalt  }
0x45: {  	_ =	shalt  }
0x46: {  	_ =	shalt  }
0x47: {  	_ =	shalt  }
0x48: {  	_ =	shalt  }
0x49: {  	_ =	shalt  }
0x4a: {  	_ =	shalt  }
0x4b: {  	_ =	shalt  }
0x4c: {  	_ =	shalt  }
0x4d: {  	_ =	shalt  }
0x4e: {  	_ =	shalt  }
0x4f: {  	_ =	shalt  }
0x50: {  	_ =	shalt  }
0x51: {  	_ =	shalt  }
0x52: {  	_ =	shalt  }
0x53: {  	_ =	shalt  }
0x54: {  	_ =	shalt  }
0x55: {  	_ =	shalt  }
0x56: {  	_ =	shalt  }
0x57: {  	_ =	shalt  }
0x58: {  	_ =	shalt  }
0x59: {  	_ =	shalt  }
0x5a: {  	_ =	shalt  }
0x5b: {  	_ =	shalt  }
0x5c: {  	_ =	shalt  }
0x5d: {  	_ =	shalt  }
0x5e: {  	_ =	shalt  }
0x5f: {  	_ =	shalt  }
0x60: {  	_ =	shalt  }
0x61: {  	_ =	shalt  }
0x62: {  	_ =	shalt  }
0x63: {  	_ =	shalt  }
0x64: {  	_ =	shalt  }
0x65: {  	_ =	shalt  }
0x66: {  	_ =	shalt  }
0x67: {  	_ =	shalt  }
0x68: {  	_ =	shalt  }
0x69: {  	_ =	shalt  }
0x6a: {  	_ =	shalt  }
0x6b: {  	_ =	shalt  }
0x6c: {  	_ =	shalt  }
0x6d: {  	_ =	shalt  }
0x6e: {  	_ =	shalt  }
0x6f: {  	_ =	shalt  }
0x70: {  	_ =	shalt  }
0x71: {  	_ =	shalt  }
0x72: {  	_ =	shalt  }
0x73: {  	_ =	shalt  }
0x74: {  	_ =	shalt  }
0x75: {  	_ =	shalt  }
0x76: {  	_ =	shalt  }
0x77: {  	_ =	shalt  }
0x78: {  	_ =	shalt  }
0x79: {  	_ =	shalt  }
0x7a: {  	_ =	shalt  }
0x7b: {  	_ =	shalt  }
0x7c: {  	_ =	shalt  }
0x7d: {  	_ =	shalt  }
0x7e: {  	_ =	shalt  }
0x7f: {  	_ =	shalt  }
0x80: {  	_ =	shalt  }
0x81: {  	_ =	shalt  }
0x82: {  	_ =	shalt  }
0x83: {  	_ =	shalt  }
0x84: {  	_ =	shalt  }
0x85: {  	_ =	shalt  }
0x86: {  	_ =	shalt  }
0x87: {  	_ =	shalt  }
.Lfunc_end0:
.L_simem_size_0:
called_computation_lowered:
.L_overlay_start_0:
0x88: {  	s2 =	sld [smem:$0x3FD9]  }
0x89: {  	s3 =	sld [smem:$0x3FFE];
	_ =	sdelay $0x1  }
0x8a: {  	s1 =	srdreg.scid  }
0x8b: {  	s0 =	sand.u32 $0x1, s1  }
0x8c: {  	s16 =	sshll.u32 s0, $0xA;
	s2 =	sadd.s32 s3, s2  }
0x8d: {  	s2 =	sadd.s32 s2, s16  }
0x8e: {  	[smem:$0x3FC6] =	sst s2  }
0x8f: {  	_ = 	snop  }
0x90: {  	(tm) =	ssettm $0x1  }
0x91: {  	s17 =	sld [smem:$0x3FFB];
	_ =	sdelay $0x3  }
0x92: {  	_ =	strace s17  }
0x93: {  	s2 =	sld [smem:$0x3FFC];
	_ =	sdelay $0x3  }
0x94: {  	_ =	strace s2  }
0x95: {  	s2 =	sld [smem:$0x3FFD];
	_ =	sdelay $0x3  }
0x96: {  	_ =	strace s2  }
0x97: {  	_ =	strace $0x8FFFFFFF  }
0x98: {  	s18 =	sld [smem:$0x3FDB];
	_ =	sdelay $0x1  }
0x99: {  	s19 =	simm.s32 $_scs_section_size  }
0x9a: {  	s4 =	simm.s32 $_size__tile_overlayer_lowered;
	s5 =	simm.s32 $_tile_overlayer_lowered  }
0x9b: {  	s22 =	simm.s32 $0x1BFF;
	s21 =	sshll.u32 s5, $0x1;
	s2 =	sadd.s32 s19, s18  }
0x9c: {  	s6 =	simm.s32 $0x0;
	s20 =	sshll.u32 s4, $0x1;
	s4 =	sadd.s32 s21, s2  }
0x9d: {  	[timem:s6], [sflag:s22] =	dma.local [hbm:s4], s20  }
0x9e: {  	_ =	swait.ge [sflag:s22], s20  }
0x9f: {  	s3 =	ssub.s32 $0x0, s20;
	[sflag:s22] =	ssyncset.done $0x0  }
0xa0: {  	[sflag:s22] =	ssyncadd.s32 s3;
	_ =	sdelay $0x1  }
0xa1: {  	s23 =	simm.s32 $0x1B8B  }
0xa2: {  	_ =	swait.ge [sflag:s23], $0x1  }
0xa3: {  	[sflag:s23] =	ssyncset.done $0x0  }
0xa4: {  	s25 =	simm.s32 $0x1B8E;
	s24 =	sld [smem:$0x3FFE];
	[sflag:s23] =	ssyncadd.s32 $0xFFFFFFFF  }
0xa5: {  	s26 =	simm.s32 $execute0_lowered;
	[smem:$0x3FD2] =	sst s25  }
0xa6: {  	s4 =	sshll.u32 s26, $0x1;
	_ =	strace $0x80000046;
	[dreg:$0x1] =	wrdreg $0xFFFFFFFF  }
0xa7: {  	s28 =	simm.s32 $_size_execute0_lowered;
	s2 =	sadd.s32 s2, s4;
	[dreg:$0x0] =	wrdreg $0x0  }
0xa8: {  	s4 =	sshll.u32 s28, $0x1;
	[dreg:$0x2] =	wrdreg s2  }
0xa9: {  	[dreg:$0x3] =	wrdreg s4  }
0xaa: {  	[dreg:$0x4] =	wrdreg $0xC0  }
0xab: {  	_ =	task [dreg:s6], $0x5FFFF  }
0xac: {  	[dreg:$0x1] =	wrdreg $0xFFFFFFFF  }
0xad: {  	[dreg:$0x0] =	wrdreg $0x60  }
0xae: {  	[dreg:$0x2] =	wrdreg s24  }
0xaf: {  	[dreg:$0x3] =	wrdreg $0x9  }
0xb0: {  	_ =	task.clear_ibuf [dreg:s6], $0x4FFFF;
	_ =	strace $0x90000046  }
0xb1: {  	s29 =	simm.s32 $0x9;
	_ =	strace $0x80000048  }
0xb2: {  	_ =	swait.ge [sflag:s29], $0x1  }
0xb3: {  	[sflag:s29] =	ssyncadd.s32 $0xFFFFFFFF  }
0xb4: {  	_ =	strace $0x90000048  }
0xb5: {  	_ =	sfence  }
0xb6: {  	s30 =	sld [smem:$0x0];
	_ =	sdelay $0x2  }
0xb7: {  	s31 =	sshll.u32 s1, $0xD;
	s1 =	sshrl.u32 s1, $0x2  }
0xb8: {  	s3 =	sand.u32 $0x4000, s31;
	s1 =	sadd.s32 s1, s30  }
0xb9: {  	s0 =	sor.u32 s3, s0;
	s1 =	sshll.u32 s1, $0x11  }
0xba: {  	s0 =	sor.u32 s1, s0  }
0xbb: {  	s0 =	sadd.s32 $0x8F2B, s0  }
0xbc: {  	[sflag:s0] =	ssyncadd.remote.s32 $0x1  }
0xbd: {  	_ =	sfence.sel $0xFFFF  }
0xbe: {  	[dreg:$0x0] =	wrdreg $0xFFFFFFFF;
	(pc) =	sbr.abs _section_cstart, $3  }
0xbf: {  	[dreg:$0x1] =	wrdreg $0xFFFFFFFF  }
0xc0: {  	_ =	task.clear_ibuf [dreg:s6], $0x2FFFF;
	_ =	strace $0x9FFFFFFF  }
0xc1: {  	(tm) =	ssettm $0x7FFFFFFF  }
tec
execute0_lowered:
.L_overlay_start_1:
0x0: {  	(tag) =	ssettag $0x1  }
0x1: {  	s8 =	rddreg [dreg:$0x0]  }
0x2: {  	s0 =	rddreg [dreg:$0x1];
	s2 =	simm.s32 $0x0;
	s3 =	srdreg.scid  }
0x3: {  	s1 =	stileid.u32;
	s15 =	simm.s32 $0x9480;
	s16 =	simm.s32 $0x9500  }
0x4: {  	s17 =	simm.s32 $0x6F00;
	s18 =	simm.s32 $0x9580;
	s19 =	simm.s32 $0x0  }
0x5: {  	[smem:$0x7FF] =	sst s2;
	s5 =	sand.u32 $0x1, s3;
	s24 =	sshll.u32 s1, $0x5  }
0x6: {  	s7 =	sadd.s32 $0xC00, s8;
	s4 =	sshll.u32 s5, $0x4;
	s6 =	smul.u32 $0x3, s5  }
0x7: {  	_ =	strace $0x80000047;
	s9 =	ssub.s32 $0x2, s5;
	s10 =	smul.u32 $0xDE0, s5  }
0x8: {  	s25 =	sor.u32 $0xE00, s24;
	s26 =	smul.u32 $0x3000, s5;
	s4 =	sor.u32 s4, s24  }
0x9: {  	s12 =	sshrl.u32 s9, $0x1;
	s11 =	sadd.s32 $0x1, s6;
	s4 =	sshrl.u32 s4, $0x3  }
0xa: {  	s12 =	ssub.s32 s9, s12;
	s3 =	sadd.s32 s7, s10;
	s6 =	sshll.u32 s6, $0xC  }
0xb: {  	s13 =	smul.u32 $0x4A0, s11;
	s14 =	sadd.s32 s4, s8;
	s5 =	sadd.s32 $0x940, s3  }
0xc: {  	s28 =	sshll.u32 s11, $0xC;
	s6 =	sor.u32 s25, s6;
	s11 =	simm.s32 $0x1  }
0xd: {  	s10 =	sor.u32 s25, s28;
	s30 =	sadd.s32 $0x2000, s6;
	s9 =	sadd.s32 $0x2800, s14  }
0xe: {  	s14 =	simm.s32 $0x9400;
	s4 =	sadd.s32 s7, s13;
	s7 =	sor.u32 s26, s25  }
0xf: {  	s29 =	sshrl.u32 s10, $0x3;
	s31 =	sshrl.u32 s30, $0x3;
	s10 =	smax.u32 s12, $0x1  }
0x10: {  	s12 =	simm.s32 $0x2500;
	s13 =	simm.s32 $0x4A00;
	s7 =	sshrl.u32 s7, $0x3  }
0x11: {  	s6 =	sadd.s32 s8, s7;
	s7 =	sadd.s32 s8, s29;
	s8 =	sadd.s32 s8, s31  }
.LBB2_1:
0x12: {  	[tilespmem:s2], [sflag:$0x1] =	stream.linear.gather [hbm4b:s3+s2], $0x2500, $0x38;
	[tilespmem:$0x9600] =	vst v63  }
0x13: {  	_ =	swait.ge [sflag:s11], $0x2500  }
0x14: {  	[sflag:s11] =	ssyncset.done $0x0  }
0x15: {  	[sflag:s11] =	ssyncadd.s32 $0xFFFFDB00  }
0x16: {  	[tilespmem:s12], [sflag:$0x1] =	stream.linear.gather [hbm4b:s4+s2], $0x2500, $0x38;
	[tilespmem:$0x9600] =	vst v63  }
0x17: {  	_ =	swait.ge [sflag:s11], $0x2500  }
0x18: {  	[sflag:s11] =	ssyncset.done $0x0  }
0x19: {  	[sflag:s11] =	ssyncadd.s32 $0xFFFFDB00  }
0x1a: {  	[tilespmem:s13], [sflag:$0x1] =	stream.linear.gather [hbm4b:s5+s2], $0x2500, $0x38;
	[tilespmem:$0x9600] =	vst v63  }
0x1b: {  	_ =	swait.ge [sflag:s11], $0x2500  }
0x1c: {  	[sflag:s11] =	ssyncset.done $0x0  }
0x1d: {  	[sflag:s11] =	ssyncadd.s32 $0xFFFFDB00  }
0x1e: {  	[tilespmem:s14], [sflag:$0x1] =	stream.linear.gather [hbm4b:s6+s2], $0x20, $0x38;
	[tilespmem:$0x9600] =	vst v63  }
0x1f: {  	_ =	swait.ge [sflag:s11], $0x20  }
0x20: {  	[sflag:s11] =	ssyncset.done $0x0  }
0x21: {  	[sflag:s11] =	ssyncadd.s32 $0xFFFFFFE0  }
0x22: {  	[tilespmem:s15], [sflag:$0x1] =	stream.linear.gather [hbm4b:s7+s2], $0x20, $0x38;
	[tilespmem:$0x9600] =	vst v63  }
0x23: {  	_ =	swait.ge [sflag:s11], $0x20  }
0x24: {  	[sflag:s11] =	ssyncset.done $0x0  }
0x25: {  	[sflag:s11] =	ssyncadd.s32 $0xFFFFFFE0  }
0x26: {  	[tilespmem:s16], [sflag:$0x1] =	stream.linear.gather [hbm4b:s8+s2], $0x20, $0x38;
	[tilespmem:$0x9600] =	vst v63  }
0x27: {  	_ =	swait.ge [sflag:s11], $0x20  }
0x28: {  	[sflag:s11] =	ssyncset.done $0x0  }
0x29: {  	s20 =	simm.s32 $0x0;
	[sflag:s11] =	ssyncadd.s32 $0xFFFFFFE0  }
0x2a: {  	v0 =	vld [tilespmem:s20+$0x0];
	_ =	sdelay $0x1  }
0x2b: {  	v1 =	vld [tilespmem:s20+$0x2500]  }
0x2c: {  	v2 =	vld [tilespmem:s20+$0x4A00];
	_ =	sdelay $0x1  }
0x2d: {  	v3 =	vshrl.u32 v0, $0x10  }
0x2e: {  	v3 =	vand.u32 $0x1, v3  }
0x2f: {  	v4 =	vmul.f32 v0, v0;
	v5 =	vshrl.u32 v1, $0x10;
	v0 =	vadd.s32 v3, v0  }
0x30: {  	v3 =	vand.u32 $0x1, v5;
	v5 =	vshrl.u32 v2, $0x10;
	v0 =	vadd.s32 $0x7FFF, v0  }
0x31: {  	v3 =	vadd.s32 v3, v1;
	v5 =	vand.u32 $0x1, v5;
	v1 =	vmul.f32 v1, v1  }
0x32: {  	v0 =	vand.u32 $0xFFFF0000, v0;
	v3 =	vadd.s32 $0x7FFF, v3;
	v5 =	vadd.s32 v5, v2  }
0x33: {  	s21 =	simm.s32 $0x10;
	[tilespmem:s20+$0x0] =	vst v0;
	v3 =	vand.u32 $0xFFFF0000, v3;
	v5 =	vadd.s32 $0x7FFF, v5  }
0x34: {  	s22 =	simm.s32 $0x80;
	v2 =	vmul.f32 v2, v2;
	v1 =	vadd.f32 v1, v4;
	v0 =	vld [tilespmem:s21+$0x0];
	[tilespmem:s20+$0x2500] =	vst v3;
	v3 =	vand.u32 $0xFFFF0000, v5  }
.LBB2_2:
0x35: {  	p0 =	sne.s32 s22, $0x93C0;
	v4 =	vld [tilespmem:s21+$0x2500];
	[tilespmem:s20+$0x4A00] =	vst v3  }
0x36: {  	v3 =	vld [tilespmem:s21+$0x4A00];
	v1 =	vadd.f32 v2, v1;
	_ =	sdelay $0x1  }
0x37: {  	[tilespmem:s20+$0x6F00] =	vst v1;
	s20 =	smov.u32 s21  }
0x38: {  	v1 =	vmul.f32 v0, v0;
	v2 =	vshrl.u32 v0, $0x10  }
0x39: {  	v5 =	vmul.f32 v4, v4;
	v2 =	vand.u32 $0x1, v2;
	v6 =	vshrl.u32 v4, $0x10  }
.Ltmp0:
0x3a: {  	v0 =	vadd.s32 v2, v0;
	v2 =	vand.u32 $0x1, v6;
	v6 =	vshrl.u32 v3, $0x10;
	(pc) =	sbr.rel @p0 .LBB2_2-.Ltmp0, $4  }
0x3b: {  	v0 =	vadd.s32 $0x7FFF, v0;
	v2 =	vadd.s32 v2, v4;
	v4 =	vand.u32 $0x1, v6  }
0x3c: {  	v0 =	vand.u32 $0xFFFF0000, v0;
	v2 =	vadd.s32 $0x7FFF, v2;
	v4 =	vadd.s32 v4, v3  }
0x3d: {  	s21 =	sshra.s32 s22, $0x2;
	v1 =	vadd.f32 v5, v1;
	[tilespmem:s20+$0x0] =	vst v0;
	v5 =	vand.u32 $0xFFFF0000, v2;
	v4 =	vadd.s32 $0x7FFF, v4  }
0x3e: {  	s22 =	sadd.s32 $0x40, s22;
	v2 =	vmul.f32 v3, v3;
	v0 =	vld [tilespmem:s21+$0x0];
	[tilespmem:s20+$0x2500] =	vst v5;
	v3 =	vand.u32 $0xFFFF0000, v4  }
0x3f: {  	v4 =	vld [tilespmem:s21+$0x2500]  }
0x40: {  	[tilespmem:s20+$0x4A00] =	vst v3  }
0x41: {  	v3 =	vld [tilespmem:s21+$0x4A00];
	_ =	sdelay $0x1  }
0x42: {  	v1 =	vadd.f32 v2, v1;
	v2 =	vshrl.u32 v0, $0x10  }
0x43: {  	v5 =	vmul.f32 v0, v0;
	v2 =	vand.u32 $0x1, v2;
	v6 =	vshrl.u32 v4, $0x10  }
0x44: {  	v7 =	vmul.f32 v4, v4;
	v0 =	vadd.s32 v2, v0;
	v2 =	vand.u32 $0x1, v6  }
0x45: {  	v6 =	vshrl.u32 v3, $0x10;
	v0 =	vadd.s32 $0x7FFF, v0;
	v2 =	vadd.s32 v2, v4  }
0x46: {  	v4 =	vand.u32 $0x1, v6;
	v0 =	vand.u32 $0xFFFF0000, v0;
	v2 =	vadd.s32 $0x7FFF, v2  }
0x47: {  	[tilespmem:s20+$0x6F00] =	vst v1;
	v1 =	vadd.s32 v4, v3;
	v4 =	vadd.f32 v7, v5;
	v3 =	vmul.f32 v3, v3  }
0x48: {  	[tilespmem:s21+$0x0] =	vst v0;
	v0 =	vand.u32 $0xFFFF0000, v2;
	v1 =	vadd.s32 $0x7FFF, v1  }
0x49: {  	[tilespmem:s21+$0x2500] =	vst v0;
	v0 =	vand.u32 $0xFFFF0000, v1;
	v1 =	vadd.f32 v3, v4  }
0x4a: {  	[tilespmem:s21+$0x4A00] =	vst v0  }
0x4b: {  	[tilespmem:s21+$0x6F00] =	vst v1  }
0x4c: {  	v0 =	vld [tilespmem:$0x9400]  }
0x4d: {  	v1 =	vld [tilespmem:$0x9410]  }
0x4e: {  	s30 =	simm.s32 $0x0;
	v2 =	vld [tilespmem:$0x9480]  }
0x4f: {  	v11 =	vmov s30;
	v4 =	vld [tilespmem:$0x9490]  }
0x50: {  	v12 =	vor.u32 $0x1, v11;
	v6 =	vld [tilespmem:$0x9500]  }
0x51: {  	v10 =	vor.u32 $0x2, v11;
	v7 =	vld [tilespmem:$0x9510]  }
0x52: {  	v23 =	vimm.f32 $+Inf;
	s31 =	simm.s32 $0x4  }
0x53: {  	v36 =	vmov s31;
	v3 =	vmul.f32 v0, v0;
	v5 =	vmul.f32 v2, v2  }
0x54: {  	v13 =	vor.u32 $0x3, v11;
	v8 =	vmul.f32 v1, v1;
	v9 =	vmul.f32 v4, v4  }
0x55: {  	v38 =	vor.u32 $0x3, v36;
	v18 =	vld.idx.msk [tilespmem:v12+s17+$0x0], $0xffff;
	v3 =	vadd.f32 v5, v3;
	v5 =	vmul.f32 v6, v6  }
0x56: {  	v39 =	vor.u32 $0x2, v36;
	v17 =	vld.idx.msk [tilespmem:v10+s17+$0x0], $0xffff;
	v8 =	vadd.f32 v9, v8;
	v9 =	vmul.f32 v7, v7  }
0x57: {  	v47 =	vor.u32 $0x1, v36;
	v14 =	vld.idx.msk [tilespmem:v11+s17+$0x0], $0xffff;
	v15 =	vshrl.u32 v2, $0x10;
	v3 =	vadd.f32 v5, v3  }
0x58: {  	v5 =	vadd.f32 v9, v8;
	v8 =	vshrl.u32 v0, $0x10;
	v9 =	vshrl.u32 v1, $0x10  }
0x59: {  	v20 =	vshrl.u32 v7, $0x10;
	v8 =	vand.u32 $0x1, v8;
	v9 =	vand.u32 $0x1, v9  }
0x5a: {  	v24 =	vld.idx.msk [tilespmem:v11+s2+$0x0], $0xffff;
	v0 =	vadd.s32 v8, v0;
	v1 =	vadd.s32 v9, v1;
	v31 =	vadd.f32 v18, v3  }
0x5b: {  	v25 =	vld.idx.msk [tilespmem:v12+s2+$0x0], $0xffff;
	v8 =	vand.u32 $0x1, v15;
	v32 =	vadd.f32 v17, v3;
	v34 =	vadd.f32 v18, v5  }
0x5c: {  	v46 =	vadd.f32 v14, v3;
	v0 =	vadd.s32 $0x7FFF, v0;
	v9 =	vadd.s32 $0x7FFF, v1  }
0x5d: {  	v16 =	vld.idx.msk [tilespmem:v11+s13+$0x0], $0xffff;
	v2 =	vadd.s32 v8, v2;
	v8 =	vshrl.u32 v4, $0x10;
	v1 =	vand.u32 $0xFFFF0000, v0  }
0x5e: {  	v22 =	vld.idx.msk [tilespmem:v10+s12+$0x0], $0xffff;
	v0 =	vand.u32 $0xFFFF0000, v9;
	v9 =	vshrl.u32 v6, $0x10;
	v8 =	vand.u32 $0x1, v8  }
0x5f: {  	v30 =	vld.idx.msk [tilespmem:v12+s12+$0x0], $0xffff;
	v2 =	vadd.s32 $0x7FFF, v2;
	v9 =	vand.u32 $0x1, v9;
	v4 =	vadd.s32 v8, v4  }
0x60: {  	v11 =	vld.idx.msk [tilespmem:v11+s12+$0x0], $0xffff;
	v8 =	vand.u32 $0x1, v20;
	v33 =	vmul.f32 v1, v25;
	v35 =	vmul.f32 v1, v24  }
0x61: {  	v15 =	vld.idx.msk [tilespmem:v13+s17+$0x0], $0xffff;
	v6 =	vadd.s32 v9, v6;
	v4 =	vadd.s32 $0x7FFF, v4;
	v7 =	vadd.s32 v8, v7  }
0x62: {  	v19 =	vld.idx.msk [tilespmem:v10+s13+$0x0], $0xffff;
	v9 =	vadd.s32 $0x7FFF, v6;
	v6 =	vand.u32 $0xFFFF0000, v4;
	v4 =	vadd.s32 $0x7FFF, v7  }
0x63: {  	v21 =	vld.idx.msk [tilespmem:v12+s13+$0x0], $0xffff;
	v25 =	vmul.f32 v0, v25;
	v9 =	vand.u32 $0xFFFF0000, v9;
	v4 =	vand.u32 $0xFFFF0000, v4  }
0x64: {  	v2 =	vand.u32 $0xFFFF0000, v2;
	v27 =	vmul.f32 v9, v16;
	v28 =	vmul.f32 v4, v16;
	v16 =	vld.idx.msk [tilespmem:v10+s2+$0x0], $0xffff  }
0x65: {  	v20 =	vld.idx.msk [tilespmem:v13+s12+$0x0], $0xffff;
	v8 =	vadd.f32 v17, v5;
	v18 =	vmul.f32 v2, v22;
	v40 =	vmul.f32 v2, v30  }
0x66: {  	v44 =	vld.idx.msk [tilespmem:v47+s17+$0x0], $0xffff;
	v7 =	vadd.f32 v15, v5;
	v22 =	vmul.f32 v6, v22;
	v61 =	vmul.f32 v6, v11  }
0x67: {  	v12 =	vadd.f32 v15, v3;
	v15 =	vld.idx.msk [tilespmem:v13+s2+$0x0], $0xffff;
	v11 =	vmul.f32 v2, v11;
	v26 =	vmul.f32 v9, v19  }
0x68: {  	v29 =	vmul.f32 v9, v21;
	v10 =	vadd.f32 v14, v5;
	v14 =	vmul.f32 v6, v30  }
0x69: {  	v21 =	vmul.f32 v4, v21;
	v35 =	vadd.f32 v11, v35;
	v37 =	vmul.f32 v1, v16  }
0x6a: {  	v30 =	vadd.f32 v40, v33;
	v17 =	vmul.f32 v2, v20;
	v14 =	vadd.f32 v14, v25  }
0x6b: {  	v42 =	vld.idx.msk [tilespmem:v38+s17+$0x0], $0xffff;
	v20 =	vmul.f32 v6, v20;
	v27 =	vadd.f32 v27, v35;
	v18 =	vadd.f32 v18, v37  }
0x6c: {  	v13 =	vld.idx.msk [tilespmem:v13+s13+$0x0], $0xffff;
	v11 =	vadd.f32 v44, v3;
	v25 =	vmul.f32 v0, v15;
	v14 =	vadd.f32 v21, v14  }
0x6d: {  	v43 =	vld.idx.msk [tilespmem:v47+s2+$0x0], $0xffff;
	v15 =	vmul.f32 v1, v15;
	v49 =	vadd.f32 v27, v27;
	v62 =	vadd.f32 v26, v18  }
0x6e: {  	v60 =	vld.idx.msk [tilespmem:v36+s13+$0x0], $0xffff;
	v18 =	vadd.f32 v29, v30;
	v29 =	vadd.f32 v20, v25;
	v20 =	vmul.f32 v0, v24  }
0x6f: {  	v48 =	vld.idx.msk [tilespmem:v39+s12+$0x0], $0xffff;
	v49 =	vsub.f32 v46, v49;
	v24 =	vmul.f32 v0, v16;
	v26 =	vadd.f32 v17, v15  }
0x70: {  	v33 =	vld.idx.msk [tilespmem:v47+s13+$0x0], $0xffff;
	v45 =	vmul.f32 v4, v19;
	v41 =	vadd.f32 v18, v18;
	v21 =	vadd.f32 v61, v20  }
0x71: {  	v30 =	vld.idx.msk [tilespmem:v39+s17+$0x0], $0xffff;
	v15 =	vmul.f32 v4, v13;
	v24 =	vadd.f32 v22, v24;
	v19 =	vadd.f32 v62, v62  }
0x72: {  	v46 =	vmul.f32 v1, v43;
	v16 =	vld.idx.msk [tilespmem:v39+s13+$0x0], $0xffff;
	v22 =	vadd.f32 v14, v14;
	v14 =	vadd.f32 v42, v5  }
0x73: {  	v17 =	vld.idx.msk [tilespmem:v38+s13+$0x0], $0xffff;
	v18 =	vmul.f32 v9, v13;
	v63 =	vadd.f32 v15, v29;
	v37 =	vsub.f32 v32, v19  }
0x74: {  	v25 =	vld.idx.msk [tilespmem:v38+s12+$0x0], $0xffff;
	v13 =	vmul.f32 v9, v60;
	v28 =	vadd.f32 v28, v21;
	v22 =	vsub.f32 v34, v22  }
0x75: {  	v15 =	vmul.f32 v4, v60;
	v29 =	vld.idx.msk [tilespmem:v36+s17+$0x0], $0xffff;
	v50 =	vadd.f32 v45, v24;
	v41 =	vsub.f32 v31, v41  }
0x76: {  	v27 =	vld.idx.msk [tilespmem:v36+s2+$0x0], $0xffff;
	v40 =	vadd.f32 v63, v63;
	v21 =	vadd.f32 v44, v5;
	v44 =	vmul.f32 v2, v48  }
0x77: {  	v32 =	vld.idx.msk [tilespmem:v36+s12+$0x0], $0xffff;
	v24 =	vadd.f32 v42, v3;
	v36 =	vmul.f32 v6, v48;
	v20 =	vadd.f32 v30, v5  }
0x78: {  	v42 =	vld.idx.msk [tilespmem:v39+s2+$0x0], $0xffff;
	v35 =	vmul.f32 v9, v16;
	v34 =	vmul.f32 v9, v17;
	v19 =	vadd.f32 v30, v3  }
0x79: {  	v30 =	vld.idx.msk [tilespmem:v38+s2+$0x0], $0xffff;
	v38 =	vmul.f32 v9, v33;
	v31 =	vmul.f32 v2, v25;
	v45 =	vadd.f32 v28, v28  }
0x7a: {  	s20 =	simm.s32 $0x8;
	v47 =	vld.idx.msk [tilespmem:v47+s12+$0x0], $0xffff;
	v48 =	vadd.f32 v50, v50;
	v28 =	vimm.f32 $+Inf;
	v39 =	vadd.f32 v29, v5  }
.LBB2_4:
0x7b: {  	p0 =	sne.s32 s20, $0x24FC;
	v50 =	vmul.f32 v1, v27;
	v43 =	vmul.f32 v0, v43;
	v23 =	vmin.f32 v23, v49;
	s21 =	smov.u32 s20;
	s20 =	sadd.s32 $0x4, s20  }
0x7c: {  	v49 =	vadd.f32 v29, v3;
	v33 =	vmul.f32 v4, v33;
	v23 =	vmin.f32 v23, v41  }
0x7d: {  	v41 =	vmov s21;
	v29 =	vmul.f32 v1, v42;
	v23 =	vmin.f32 v23, v37  }
0x7e: {  	v26 =	vadd.f32 v18, v26;
	v18 =	vmovc v34;
	v51 =	vor.u32 $0x1, v41;
	v52 =	vor.u32 $0x2, v41  }
0x7f: {  	v45 =	vsub.f32 v10, v45;
	v10 =	vmovc v39;
	v34 =	vor.u32 $0x3, v41;
	v37 =	vmul.f32 v2, v47  }
0x80: {  	v39 =	vmul.f32 v6, v47;
	v44 =	vadd.f32 v44, v29;
	v47 =	vsub.f32 v8, v48;
	v8 =	vmovc v20  }
0x81: {  	v40 =	vsub.f32 v7, v40;
	v7 =	vmovc v14;
	v20 =	vadd.f32 v37, v46;
	v37 =	vmul.f32 v0, v42  }
0x82: {  	v25 =	vmul.f32 v6, v25;
	v26 =	vadd.f32 v26, v26;
	v14 =	vadd.f32 v39, v43;
	v29 =	vld.idx.msk [tilespmem:v41+s17+$0x0], $0xffff  }
0x83: {  	v42 =	vmul.f32 v6, v32;
	v35 =	vadd.f32 v35, v44;
	v43 =	vmul.f32 v0, v30;
	v39 =	vld.idx.msk [tilespmem:v41+s13+$0x0], $0xffff  }
0x84: {  	v28 =	vmin.f32 v28, v45;
	v30 =	vmul.f32 v1, v30;
	v20 =	vadd.f32 v38, v20;
	v46 =	vld.idx.msk [tilespmem:v34+s17+$0x0], $0xffff  }
0x85: {  	v12 =	vsub.f32 v12, v26;
	v38 =	vadd.f32 v25, v43;
	v43 =	vmul.f32 v4, v17;
	v44 =	vld.idx.msk [tilespmem:v52+s17+$0x0], $0xffff  }
0x86: {  	v32 =	vmul.f32 v2, v32;
	v17 =	vmul.f32 v0, v27;
	v48 =	vadd.f32 v20, v20;
	v45 =	vld.idx.msk [tilespmem:v51+s17+$0x0], $0xffff  }
0x87: {  	v14 =	vadd.f32 v33, v14;
	v26 =	vadd.f32 v31, v30;
	v20 =	vmin.f32 v28, v22;
	v53 =	vld.idx.msk [tilespmem:v52+s13+$0x0], $0xffff  }
0x88: {  	v31 =	vadd.f32 v36, v37;
	v36 =	vmul.f32 v4, v16;
	v22 =	vadd.f32 v42, v17;
	v33 =	vld.idx.msk [tilespmem:v51+s13+$0x0], $0xffff  }
0x89: {  	v23 =	vmin.f32 v23, v12;
	v16 =	vadd.f32 v14, v14;
	v20 =	vmin.f32 v20, v47;
	v17 =	vld.idx.msk [tilespmem:v34+s13+$0x0], $0xffff  }
0x8a: {  	v32 =	vadd.f32 v32, v50;
	v28 =	vmin.f32 v20, v40;
	v14 =	vadd.f32 v46, v5;
	v25 =	vld.idx.msk [tilespmem:v34+s12+$0x0], $0xffff  }
0x8b: {  	v35 =	vadd.f32 v35, v35;
	v40 =	vmul.f32 v9, v39;
	v20 =	vadd.f32 v44, v5;
	v50 =	vld.idx.msk [tilespmem:v52+s12+$0x0], $0xffff  }
0x8c: {  	v12 =	vmov v24;
	v54 =	vadd.f32 v43, v38;
	v47 =	vadd.f32 v45, v3;
	v30 =	vld.idx.msk [tilespmem:v34+s2+$0x0], $0xffff  }
0x8d: {  	v38 =	vadd.f32 v13, v32;
	v37 =	vsub.f32 v19, v35;
	v24 =	vmul.f32 v4, v39;
	v27 =	vld.idx.msk [tilespmem:v41+s2+$0x0], $0xffff  }
0x8e: {  	v39 =	vadd.f32 v15, v22;
	v22 =	vsub.f32 v21, v16;
	v13 =	vmovc v40;
	v16 =	vmov v53;
	v43 =	vld.idx.msk [tilespmem:v51+s2+$0x0], $0xffff  }
0x8f: {  	v53 =	vadd.f32 v38, v38;
	v35 =	vmul.f32 v9, v16;
	v34 =	vmul.f32 v9, v17;
	v32 =	vld.idx.msk [tilespmem:v41+s12+$0x0], $0xffff  }
.Ltmp1:
0x90: {  	v55 =	vadd.f32 v36, v31;
	v19 =	vadd.f32 v44, v3;
	v15 =	vmovc v24;
	v38 =	vmul.f32 v9, v33;
	(pc) =	sbr.rel @p0 .LBB2_4-.Ltmp1, $4  }
0x91: {  	v40 =	vadd.f32 v54, v54;
	v31 =	vmul.f32 v2, v25;
	v41 =	vsub.f32 v11, v48;
	v42 =	vld.idx.msk [tilespmem:v52+s2+$0x0], $0xffff  }
0x92: {  	v21 =	vadd.f32 v45, v5;
	v45 =	vadd.f32 v39, v39;
	v11 =	vmovc v47;
	v44 =	vmul.f32 v2, v50  }
0x93: {  	v24 =	vadd.f32 v46, v3;
	v49 =	vsub.f32 v49, v53;
	v36 =	vmul.f32 v6, v50;
	v47 =	vld.idx.msk [tilespmem:v51+s12+$0x0], $0xffff  }
0x94: {  	v39 =	vadd.f32 v29, v5;
	v48 =	vadd.f32 v55, v55;
	v46 =	vmul.f32 v1, v43  }
0x95: {  	v5 =	vmul.f32 v1, v27  }
0x96: {  	v9 =	vmul.f32 v0, v43;
	v23 =	vmin.f32 v23, v49;
	v3 =	vadd.f32 v29, v3  }
0x97: {  	v18 =	vadd.f32 v18, v26;
	v25 =	vmul.f32 v6, v25;
	v49 =	vmul.f32 v0, v30  }
0x98: {  	v10 =	vsub.f32 v10, v45;
	v50 =	vmul.f32 v1, v30;
	v51 =	vmul.f32 v0, v27  }
0x99: {  	v7 =	vsub.f32 v7, v40;
	v52 =	vmul.f32 v2, v32;
	v54 =	vmul.f32 v4, v17  }
0x9a: {  	v62 =	vmul.f32 v1, v42;
	v8 =	vsub.f32 v8, v48;
	v18 =	vadd.f32 v18, v18  }
0x9b: {  	v48 =	vmul.f32 v6, v32;
	v25 =	vadd.f32 v25, v49;
	v1 =	vadd.f32 v31, v50  }
0x9c: {  	v63 =	vmul.f32 v2, v47;
	v45 =	vmul.f32 v6, v47;
	v29 =	vadd.f32 v44, v62  }
0x9d: {  	v47 =	vmul.f32 v0, v42;
	v0 =	vadd.f32 v48, v51;
	v2 =	vadd.f32 v52, v5  }
0x9e: {  	v12 =	vsub.f32 v12, v18;
	v6 =	vadd.f32 v54, v25  }
0x9f: {  	v1 =	vadd.f32 v34, v1;
	v26 =	vadd.f32 v63, v46  }
0xa0: {  	v33 =	vmul.f32 v4, v33;
	v9 =	vadd.f32 v45, v9;
	v29 =	vadd.f32 v35, v29  }
0xa1: {  	v58 =	vmul.f32 v4, v16;
	v55 =	vadd.f32 v36, v47;
	v2 =	vadd.f32 v13, v2  }
0xa2: {  	v23 =	vmin.f32 v23, v41;
	v0 =	vadd.f32 v15, v0;
	v1 =	vadd.f32 v1, v1  }
0xa3: {  	v56 =	vmin.f32 v23, v37;
	v62 =	vadd.f32 v6, v6;
	v26 =	vadd.f32 v38, v26  }
0xa4: {  	v10 =	vmin.f32 v28, v10;
	v9 =	vadd.f32 v33, v9;
	v57 =	vadd.f32 v29, v29  }
0xa5: {  	v10 =	vmin.f32 v10, v22;
	v2 =	vadd.f32 v2, v2;
	v4 =	vadd.f32 v58, v55  }
0xa6: {  	v8 =	vmin.f32 v10, v8;
	v0 =	vadd.f32 v0, v0;
	v53 =	vadd.f32 v26, v26  }
0xa7: {  	v60 =	vmin.f32 v8, v7;
	v9 =	vadd.f32 v9, v9;
	v2 =	vsub.f32 v3, v2  }
0xa8: {  	v5 =	vmin.f32 v56, v12;
	v59 =	vsub.f32 v19, v57;
	v61 =	vsub.f32 v11, v53  }
0xa9: {  	v4 =	vadd.f32 v4, v4;
	v0 =	vsub.f32 v39, v0;
	v2 =	vmin.f32 v5, v2  }
0xaa: {  	v1 =	vsub.f32 v24, v1;
	v9 =	vsub.f32 v21, v9;
	v2 =	vmin.f32 v2, v61  }
0xab: {  	v4 =	vsub.f32 v20, v4;
	v0 =	vmin.f32 v60, v0;
	v2 =	vmin.f32 v2, v59  }
0xac: {  	v63 =	vsub.f32 v14, v62;
	v0 =	vmin.f32 v0, v9;
	v1 =	vmin.f32 v2, v1  }
0xad: {  	v0 =	vmin.f32 v0, v4;
	v1 =	vadd.f32 $0.0e+00, v1  }
0xae: {  	v0 =	vmin.f32 v0, v63  }
0xaf: {  	s19 =	sadd.s32 $0x1, s19;
	v0 =	vadd.f32 v0, v1  }
0xb0: {  	p0 =	sne.s32 s19, s10  }
.Ltmp2:
0xb1: {  	[tilespmem:$0x9580] =	vst v0;
	(pc) =	sbr.rel @p0 .LBB2_1-.Ltmp2, $4  }
0xb2: {  	[hbm4b:s9+s2] =	stream.linear.scatter [tilespmem:s18], [sflag:$0x1], $0x10, $0x38;
	[tilespmem:$0x9600] =	vst v63  }
0xb3: {  	_ =	swait.ge [sflag:s11], $0x10  }
0xb4: {  	[sflag:s11] =	ssyncset.done $0x0  }
0xb5: {  	[sflag:s11] =	ssyncadd.s32 $0xFFFFFFF0  }
0xb6: {  	_ =	sfence.sel $0x180000  }
0xb7: {  	[bflag:$0x0] =	sbarrier.arrive $0xFFFF  }
0xb8: {  	p0 =	sne.s32 s1, $0x0;
	_ =	strace $0x90000047  }
0xb9: {  	s0 =	sadd.s32 @!p0 $0x100000, s0;
	[bflag:$0x2] =	sbarrier.arrive $0xFFFF  }
0xba: {  	[sflag:s0] =	ssyncadd.tile.s32 @!p0 $0x1;
	_ =	shalt  }
.Lfunc_end2:
_tile_overlayer_lowered:
.L_overlay_start_2:
0xbb: {  	(tag) =	ssettag $0x2  }
0xbc: {  	s0 =	rddreg [dreg:$0x0];
	s2 =	stileid.u32  }
0xbd: {  	s1 =	rddreg [dreg:$0x1];
	p0 =	sne.s32 s2, $0x0  }
0xbe: {  	s3 =	rddreg [dreg:$0x2];
	[bflag:$0x3] =	sbarrier.arrive $0xFFFF;
	s2 =	simm.s32 @!p0 $0x1C01  }
0xbf: {  	[timem:s3], [sflag:s2] =	dma.local @!p0 [hbm:s0], s1  }
0xc0: {  	s0 =	simm.s32 @!p0 $0x1  }
0xc1: {  	_ =	swait.ge @!p0 [sflag:s0], s1  }
0xc2: {  	s1 =	ssub.s32 @!p0 $0x0, s1;
	[sflag:s0] =	ssyncset.done @!p0 $0x0  }
0xc3: {  	[sflag:s0] =	ssyncadd.s32 @!p0 s1  }
0xc4: {  	[bflag:$0x3] =	sbarrier.arrive $0xFFFF  }
0xc5: {  	_ =	shalt  }

</sc_bundles>
